<compile_context>
chip_gen: v7x
topology: tpu7x:2x2x1
jax: 0.10.2.dev20260603
libtpu: 0.0.44.dev20260713+nightly
codegen_flags: <defaults>
</compile_context>

<pallas_src>
import math

import jax
import jax.numpy as jnp
from jax import lax
from jax.experimental import pallas as pl
from jax.experimental.pallas import tpu as pltpu
from jax.experimental.pallas import tpu_sc as plsc

N = 10000
E = 320000
D = 128
H = 4
DH = 32
DHALF = 64

NC = 2
NS = 16
NW = NC * NS
EPW = E // NW
C = 80
CHUNKS = EPW // C
NPAD = 10240
RPT = NPAD // NS


def _proj_body(x_ref, w_ref, b_ref, o_ref):
    o_ref[...] = (
        jnp.dot(x_ref[...], w_ref[...], preferred_element_type=jnp.float32)
        + b_ref[...]
    )


def _projections(x, wall, ball):
    return pl.pallas_call(
        _proj_body,
        grid=(10,),
        in_specs=[
            pl.BlockSpec((1000, D), lambda i: (i, 0)),
            pl.BlockSpec((D, 4 * D), lambda i: (0, 0)),
            pl.BlockSpec((1, 4 * D), lambda i: (0, 0)),
        ],
        out_specs=pl.BlockSpec((1000, 4 * D), lambda i: (i, 0)),
        out_shape=jax.ShapeDtypeStruct((N, 4 * D), jnp.float32),
    )(x, wall, ball)


def _edge_kernel_body(qA, qB, kA, kB, vA, vB, src_hbm, dst_hbm,
                      agg_out, s_out,
                      sidx_v, didx_v, qd_v, ks_v, vs_v, msg_v, w_v,
                      agg_sh, s_sh, sem_q, sem_k, sem_v):
    cid = lax.axis_index("c")
    sid = lax.axis_index("s")
    wid = sid * NC + cid

    zero16 = jnp.zeros((16,), jnp.float32)
    lanes = lax.iota(jnp.int32, 16)
    rots = [jnp.bitwise_and(lanes + sh, 15) for sh in (8, 4, 2, 1)]

    def _hsum(vec):
        for idx in rots:
            vec = vec + vec.at[idx].get(mode="promise_in_bounds")
        return vec

    def _zero_staging(do_w):
        def _zrow(r, _):
            for j in range(DHALF // 16):
                msg_v[r, pl.ds(j * 16, 16)] = zero16
            if do_w:
                w_v[r, :] = zero16
            return _
        lax.fori_loop(0, C, _zrow, 0)

    row0 = sid * RPT
    q_tabs = (qA, qB)

    for p in range(2):
        _zero_staging(do_w=(p == 0))
        for t in range(RPT // C):
            pltpu.sync_copy(msg_v, agg_sh.at[pl.ds(row0 + t * C, C)])
            if p == 0:
                pltpu.sync_copy(w_v, s_sh.at[pl.ds(row0 + t * C, C)])
        plsc.subcore_barrier()

        k_tab = kA if p == 0 else kB
        v_tab = vA if p == 0 else vB
        q_tab = q_tabs[p]

        def _chunk(j, _, q_tab=q_tab, k_tab=k_tab, v_tab=v_tab, p=p):
            base = wid * EPW + j * C
            pltpu.sync_copy(src_hbm.at[pl.ds(base, C)], sidx_v)
            pltpu.sync_copy(dst_hbm.at[pl.ds(base, C)], didx_v)
            cp_q = pltpu.async_copy(q_tab.at[didx_v], qd_v, sem_q)
            cp_k = pltpu.async_copy(k_tab.at[sidx_v], ks_v, sem_k)
            cp_v = pltpu.async_copy(v_tab.at[sidx_v], vs_v, sem_v)
            cp_q.wait()
            cp_k.wait()
            cp_v.wait()

            def _edge(e, _c):
                wvs = []
                for hh in range(2):
                    a = (qd_v[e, pl.ds(hh * 32, 16)]
                         * ks_v[e, pl.ds(hh * 32, 16)]
                         + qd_v[e, pl.ds(hh * 32 + 16, 16)]
                         * ks_v[e, pl.ds(hh * 32 + 16, 16)])
                    wv = jnp.exp(_hsum(a))
                    msg_v[e, pl.ds(hh * 32, 16)] = (
                        wv * vs_v[e, pl.ds(hh * 32, 16)])
                    msg_v[e, pl.ds(hh * 32 + 16, 16)] = (
                        wv * vs_v[e, pl.ds(hh * 32 + 16, 16)])
                    wvs.append(wv)
                wcomb = jnp.where(
                    lanes == 2 * p, wvs[0],
                    jnp.where(lanes == 2 * p + 1, wvs[1], 0.0))
                w_v[e, :] = wcomb
                return _c
            lax.fori_loop(0, C, _edge, 0)

            pltpu.sync_copy(msg_v, agg_sh.at[didx_v], add=True)
            pltpu.sync_copy(w_v, s_sh.at[didx_v], add=True)
            return _

        lax.fori_loop(0, CHUNKS, _chunk, 0)
        plsc.subcore_barrier()

        out_row0 = (p * NC + cid) * NPAD + row0
        pltpu.sync_copy(agg_sh.at[pl.ds(row0, RPT)],
                        agg_out.at[pl.ds(out_row0, RPT)])

    pltpu.sync_copy(s_sh.at[pl.ds(row0, RPT)],
                    s_out.at[pl.ds(cid * NPAD + row0, RPT)])


def _edge_pass(qA, qB, kA, kB, vA, vB, src, dst):
    mesh = plsc.VectorSubcoreMesh(core_axis_name="c", subcore_axis_name="s")
    kern = pl.kernel(
        _edge_kernel_body,
        mesh=mesh,
        compiler_params=pltpu.CompilerParams(use_tc_tiling_on_sc=False),
        out_type=(
            jax.ShapeDtypeStruct((2 * NC * NPAD, DHALF), jnp.float32),
            jax.ShapeDtypeStruct((NC * NPAD, 16), jnp.float32),
        ),
        scratch_types=[
            pltpu.VMEM((C,), jnp.int32),
            pltpu.VMEM((C,), jnp.int32),
            pltpu.VMEM((C, DHALF), jnp.float32),
            pltpu.VMEM((C, DHALF), jnp.float32),
            pltpu.VMEM((C, DHALF), jnp.float32),
            pltpu.VMEM((C, DHALF), jnp.float32),
            pltpu.VMEM((C, 16), jnp.float32),
            pltpu.VMEM_SHARED((NPAD, DHALF), jnp.float32),
            pltpu.VMEM_SHARED((NPAD, 16), jnp.float32),
            pltpu.SemaphoreType.DMA,
            pltpu.SemaphoreType.DMA,
            pltpu.SemaphoreType.DMA,
        ],
    )
    return kern(qA, qB, kA, kB, vA, vB, src, dst)


def _final_body(l0_ref, l1_ref, r0_ref, r1_ref, s0_ref, s1_ref,
                skip_ref, x_ref, wo_ref, bo_ref, g_ref, b_ref, o_ref):
    left = l0_ref[...] + l1_ref[...]
    right = r0_ref[...] + r1_ref[...]
    s = s0_ref[...] + s1_ref[...]
    cols = []
    for h in range(H):
        den = s[:, h:h + 1] + 1e-16
        half = left if h < 2 else right
        hh = h % 2
        cols.append(half[:, hh * DH:(hh + 1) * DH] / den
                    + skip_ref[:, h * DH:(h + 1) * DH])
    mh = jnp.concatenate(cols, axis=-1)
    out = (jnp.dot(mh, wo_ref[...], preferred_element_type=jnp.float32)
           + bo_ref[...])
    hres = out + x_ref[...]
    mean = jnp.mean(hres, axis=-1, keepdims=True)
    var = jnp.mean(jnp.square(hres - mean), axis=-1, keepdims=True)
    o_ref[...] = (hres - mean) * jax.lax.rsqrt(var + 1e-5) * g_ref[...] \
        + b_ref[...]


def _finalize(l0, l1, r0, r1, s0, s1, skip, x, wo, bo, gamma, beta):
    blk = 1000
    return pl.pallas_call(
        _final_body,
        grid=(N // blk,),
        in_specs=[
            pl.BlockSpec((blk, DHALF), lambda i: (i, 0)),
            pl.BlockSpec((blk, DHALF), lambda i: (i, 0)),
            pl.BlockSpec((blk, DHALF), lambda i: (i, 0)),
            pl.BlockSpec((blk, DHALF), lambda i: (i, 0)),
            pl.BlockSpec((blk, 16), lambda i: (i, 0)),
            pl.BlockSpec((blk, 16), lambda i: (i, 0)),
            pl.BlockSpec((blk, D), lambda i: (i, 0)),
            pl.BlockSpec((blk, D), lambda i: (i, 0)),
            pl.BlockSpec((D, D), lambda i: (0, 0)),
            pl.BlockSpec((1, D), lambda i: (0, 0)),
            pl.BlockSpec((1, D), lambda i: (0, 0)),
            pl.BlockSpec((1, D), lambda i: (0, 0)),
        ],
        out_specs=pl.BlockSpec((blk, D), lambda i: (i, 0)),
        out_shape=jax.ShapeDtypeStruct((N, D), jnp.float32),
    )(l0, l1, r0, r1, s0, s1, skip, x, wo, bo, gamma, beta)


@jax.jit
def kernel(x, Wq, bq, Wk, bk, Wv, bv, Ws, bs, Wo, bo, gamma, beta,
           edge_index):
    inv = 1.0 / math.sqrt(float(DH))

    def flat(w):
        return jnp.transpose(w, (1, 0, 2)).reshape(D, H * DH)

    wall = jnp.concatenate(
        [flat(Wq) * inv, flat(Wk), flat(Wv), flat(Ws)], axis=1)
    ball = jnp.concatenate(
        [bq.reshape(-1) * inv, bk.reshape(-1), bv.reshape(-1),
         bs.reshape(-1)]).reshape(1, 4 * D)

    proj = _projections(x, wall, ball)
    qA = proj[:, 0:DHALF]
    qB = proj[:, DHALF:D]
    kA = proj[:, D:D + DHALF]
    kB = proj[:, D + DHALF:2 * D]
    vA = proj[:, 2 * D:2 * D + DHALF]
    vB = proj[:, 2 * D + DHALF:3 * D]
    skip = proj[:, 3 * D:4 * D]

    src = edge_index[0].astype(jnp.int32)
    dst = edge_index[1].astype(jnp.int32)

    agg_parts, s_parts = _edge_pass(qA, qB, kA, kB, vA, vB, src, dst)
    l0 = agg_parts[0:N]
    l1 = agg_parts[NPAD:NPAD + N]
    r0 = agg_parts[2 * NPAD:2 * NPAD + N]
    r1 = agg_parts[3 * NPAD:3 * NPAD + N]
    s0 = s_parts[0:N]
    s1 = s_parts[NPAD:NPAD + N]

    return _finalize(l0, l1, r0, r1, s0, s1, skip, x, Wo,
                     bo.reshape(1, D), gamma.reshape(1, D),
                     beta.reshape(1, D))

# --- scband reference (transcript-rebuilt; emitter-appended) ---
"""Pipeline reference for scband-multi-head-graph-attention-7413113553205 (READ-ONLY COPY).

The authoritative reference and input builder live on the scoring server;
editing this copy changes nothing except your own understanding.
"""

import jax, jax.numpy as jnp
import numpy as np

N = 10000
E = 320000
D = 128
H = 4
DH = 32


def setup_inputs(seed: int = 0) -> dict:
    key = jax.random.key(seed)
    ks = jax.random.split(key, 16)
    x = jax.random.normal(ks[0], (N, D), dtype=jnp.float32)
    edge_index = jax.random.randint(ks[1], (2, E), 0, N)

    def w(k, shape):
        return jax.random.normal(k, shape, dtype=jnp.float32) * 0.05

    Wq = w(ks[2], (H, D, DH)); bq = w(ks[3], (H, DH))
    Wk = w(ks[4], (H, D, DH)); bk = w(ks[5], (H, DH))
    Wv = w(ks[6], (H, D, DH)); bv = w(ks[7], (H, DH))
    Ws = w(ks[8], (H, D, DH)); bs = w(ks[9], (H, DH))
    Wo = w(ks[10], (D, D)); bo = w(ks[11], (D,))
    gamma = jnp.ones((D,), dtype=jnp.float32)
    beta = jnp.zeros((D,), dtype=jnp.float32)
    return {"x": x, "Wq": Wq, "bq": bq, "Wk": Wk, "bk": bk, "Wv": Wv,
            "bv": bv, "Ws": Ws, "bs": bs, "Wo": Wo, "bo": bo,
            "gamma": gamma, "beta": beta, "edge_index": edge_index}


def reference(x, Wq, bq, Wk, bk, Wv, bv, Ws, bs, Wo, bo, gamma, beta, edge_index):
    src = edge_index[0]
    dst = edge_index[1]
    n = x.shape[0]
    head_outs = []
    for h in range(H):
        q = x @ Wq[h] + bq[h]
        k = x @ Wk[h] + bk[h]
        v = x @ Wv[h] + bv[h]
        skip = x @ Ws[h] + bs[h]
        # per-edge attention logits: q_dst . k_src / sqrt(d_h)
        logits = jnp.sum(q[dst] * k[src], axis=-1) / jnp.sqrt(jnp.float32(DH))
        # segment softmax over incoming edges of each dst node
        m = jax.ops.segment_max(logits, dst, num_segments=n)
        m = jnp.where(jnp.isfinite(m), m, 0.0)
        e = jnp.exp(logits - m[dst])
        s = jax.ops.segment_sum(e, dst, num_segments=n)
        alpha = e / (s[dst] + 1e-16)
        msg = v[src] * alpha[:, None]
        agg = jax.ops.segment_sum(msg, dst, num_segments=n)
        head_outs.append(agg + skip)  # TransformerConv root/skip connection
    mh = jnp.concatenate(head_outs, axis=-1)
    out = mh @ Wo + bo
    # residual connection (in_dim == out_dim) + LayerNorm
    hres = out + x
    mean = jnp.mean(hres, axis=-1, keepdims=True)
    var = jnp.var(hres, axis=-1, keepdims=True)
    out = (hres - mean) / jnp.sqrt(var + 1e-5) * gamma + beta
    # dropout is identity in eval mode
    return out

if __name__ == "__main__":
    import jax
    _d = setup_inputs()
    print(jax.jit(kernel)(*tuple(_d.values())))

</pallas_src>

<mosaic_0001>
#map = affine_map<(d0, d1) -> (0, 0)>
#map1 = affine_map<(d0, d1) -> (0)>
module attributes {stable_mosaic.version = 14 : i64} {
  func.func @_edge_kernel_body(%arg0: i32, %arg1: i32, %arg2: memref<10000x64xf32, #tpu.memory_space<hbm>>, %arg3: memref<10000x64xf32, #tpu.memory_space<hbm>>, %arg4: memref<10000x64xf32, #tpu.memory_space<hbm>>, %arg5: memref<10000x64xf32, #tpu.memory_space<hbm>>, %arg6: memref<10000x64xf32, #tpu.memory_space<hbm>>, %arg7: memref<10000x64xf32, #tpu.memory_space<hbm>>, %arg8: memref<320000xi32, #tpu.memory_space<hbm>>, %arg9: memref<320000xi32, #tpu.memory_space<hbm>>, %arg10: memref<40960x64xf32, #tpu.memory_space<hbm>>, %arg11: memref<20480x16xf32, #tpu.memory_space<hbm>>, %arg12: memref<80xi32, #tpu.memory_space<vmem>>, %arg13: memref<80xi32, #tpu.memory_space<vmem>>, %arg14: memref<80x64xf32, #tpu.memory_space<vmem>>, %arg15: memref<80x64xf32, #tpu.memory_space<vmem>>, %arg16: memref<80x64xf32, #tpu.memory_space<vmem>>, %arg17: memref<80x64xf32, #tpu.memory_space<vmem>>, %arg18: memref<80x16xf32, #tpu.memory_space<vmem>>, %arg19: memref<10240x64xf32, #tpu.memory_space<vmem_shared>>, %arg20: memref<10240x16xf32, #tpu.memory_space<vmem_shared>>, %arg21: memref<!tpu.dma_semaphore, #tpu.memory_space<semaphore_mem>>, %arg22: memref<!tpu.dma_semaphore, #tpu.memory_space<semaphore_mem>>, %arg23: memref<!tpu.dma_semaphore, #tpu.memory_space<semaphore_mem>>) attributes {dimension_semantics = [#tpu.dimension_semantics<core_parallel>, #tpu.dimension_semantics<subcore_parallel>], iteration_bounds = array<i64: 2, 16>, scalar_prefetch = 0 : i64, scratch_operands = 12 : i64, tpu.core_type = #tpu.core_type<sc_vector_subcore>, window_params = [{transform_indices = #map}, {transform_indices = #map}, {transform_indices = #map}, {transform_indices = #map}, {transform_indices = #map}, {transform_indices = #map}, {transform_indices = #map1}, {transform_indices = #map1}, {transform_indices = #map}, {transform_indices = #map}]} {
    %mul3A = arith.constant 2 : i32
    %mul3A_0 = arith.muli %arg1, %mul3A : i32
    %add3A = arith.addi %mul3A_0, %arg0 : i32
    %broadcast_in_dim3A = arith.constant 0.000000e+00 : f32
    %broadcast_in_dim3A_1 = vector.broadcast %broadcast_in_dim3A : f32 to vector<16xf32>
    %iota3A = tpu.iota {dimensions = array<i32: 0>} : vector<16xi32>
    %add3A_2 = arith.constant 8 : i32
    %add3A_3 = vector.broadcast %add3A_2 : i32 to vector<16xi32>
    %add3A_4 = arith.addi %iota3A, %add3A_3 : vector<16xi32>
    %and3A = arith.constant 15 : i32
    %and3A_5 = vector.broadcast %and3A : i32 to vector<16xi32>
    %and3A_6 = arith.andi %add3A_4, %and3A_5 : vector<16xi32>
    %add3A_7 = arith.constant 4 : i32
    %add3A_8 = vector.broadcast %add3A_7 : i32 to vector<16xi32>
    %add3A_9 = arith.addi %iota3A, %add3A_8 : vector<16xi32>
    %and3A_10 = arith.constant 15 : i32
    %and3A_11 = vector.broadcast %and3A_10 : i32 to vector<16xi32>
    %and3A_12 = arith.andi %add3A_9, %and3A_11 : vector<16xi32>
    %add3A_13 = arith.constant 2 : i32
    %add3A_14 = vector.broadcast %add3A_13 : i32 to vector<16xi32>
    %add3A_15 = arith.addi %iota3A, %add3A_14 : vector<16xi32>
    %and3A_16 = arith.constant 15 : i32
    %and3A_17 = vector.broadcast %and3A_16 : i32 to vector<16xi32>
    %and3A_18 = arith.andi %add3A_15, %and3A_17 : vector<16xi32>
    %add3A_19 = arith.constant 1 : i32
    %add3A_20 = vector.broadcast %add3A_19 : i32 to vector<16xi32>
    %add3A_21 = arith.addi %iota3A, %add3A_20 : vector<16xi32>
    %and3A_22 = arith.constant 15 : i32
    %and3A_23 = vector.broadcast %and3A_22 : i32 to vector<16xi32>
    %and3A_24 = arith.andi %add3A_21, %and3A_23 : vector<16xi32>
    %mul3A_25 = arith.constant 640 : i32
    %mul3A_26 = arith.muli %arg1, %mul3A_25 : i32
    %scan3A = arith.constant 0 : i32
    %scan3A_27 = arith.constant 0 : i32
    %scan3A_28 = arith.constant 80 : i32
    %scan3A_29 = arith.addi %scan3A_27, %scan3A_28 : i32
    %scan3A_30 = arith.constant 1 : i32
    scf.for %scan3A_114 = %scan3A_27 to %scan3A_29 step %scan3A_30  : i32 {
      %swap3A = arith.index_cast %scan3A_114 : i32 to index
      %swap3A_115 = arith.constant 0 : index
      %swap3A_116 = tpu.vector_load %arg17[%swap3A, %swap3A_115] {strides = array<i32>} : memref<80x64xf32, #tpu.memory_space<vmem>>, vector<1x16xf32>,
      %swap3A_117 = vector.shape_cast %swap3A_116 : vector<1x16xf32> to vector<16xf32>
      %swap3A_118 = vector.shape_cast %broadcast_in_dim3A_1 : vector<16xf32> to vector<1x16xf32>
      tpu.vector_store %arg17[%swap3A, %swap3A_115], %swap3A_118 {strides = array<i32>} : memref<80x64xf32, #tpu.memory_space<vmem>>, vector<1x16xf32>,
      %swap3A_119 = arith.index_cast %scan3A_114 : i32 to index
      %swap3A_120 = arith.constant 16 : index
      %swap3A_121 = tpu.vector_load %arg17[%swap3A_119, %swap3A_120] {strides = array<i32>} : memref<80x64xf32, #tpu.memory_space<vmem>>, vector<1x16xf32>,
      %swap3A_122 = vector.shape_cast %swap3A_121 : vector<1x16xf32> to vector<16xf32>
      %swap3A_123 = vector.shape_cast %broadcast_in_dim3A_1 : vector<16xf32> to vector<1x16xf32>
      tpu.vector_store %arg17[%swap3A_119, %swap3A_120], %swap3A_123 {strides = array<i32>} : memref<80x64xf32, #tpu.memory_space<vmem>>, vector<1x16xf32>,
      %swap3A_124 = arith.index_cast %scan3A_114 : i32 to index
      %swap3A_125 = arith.constant 32 : index
      %swap3A_126 = tpu.vector_load %arg17[%swap3A_124, %swap3A_125] {strides = array<i32>} : memref<80x64xf32, #tpu.memory_space<vmem>>, vector<1x16xf32>,
      %swap3A_127 = vector.shape_cast %swap3A_126 : vector<1x16xf32> to vector<16xf32>
      %swap3A_128 = vector.shape_cast %broadcast_in_dim3A_1 : vector<16xf32> to vector<1x16xf32>
      tpu.vector_store %arg17[%swap3A_124, %swap3A_125], %swap3A_128 {strides = array<i32>} : memref<80x64xf32, #tpu.memory_space<vmem>>, vector<1x16xf32>,
      %swap3A_129 = arith.index_cast %scan3A_114 : i32 to index
      %swap3A_130 = arith.constant 48 : index
      %swap3A_131 = tpu.vector_load %arg17[%swap3A_129, %swap3A_130] {strides = array<i32>} : memref<80x64xf32, #tpu.memory_space<vmem>>, vector<1x16xf32>,
      %swap3A_132 = vector.shape_cast %swap3A_131 : vector<1x16xf32> to vector<16xf32>
      %swap3A_133 = vector.shape_cast %broadcast_in_dim3A_1 : vector<16xf32> to vector<1x16xf32>
      tpu.vector_store %arg17[%swap3A_129, %swap3A_130], %swap3A_133 {strides = array<i32>} : memref<80x64xf32, #tpu.memory_space<vmem>>, vector<1x16xf32>,
      %swap3A_134 = arith.index_cast %scan3A_114 : i32 to index
      %swap3A_135 = arith.constant 0 : index
      %swap3A_136 = tpu.vector_load %arg18[%swap3A_134, %swap3A_135] {strides = array<i32>} : memref<80x16xf32, #tpu.memory_space<vmem>>, vector<1x16xf32>,
      %swap3A_137 = vector.shape_cast %swap3A_136 : vector<1x16xf32> to vector<16xf32>
      %swap3A_138 = vector.shape_cast %broadcast_in_dim3A_1 : vector<16xf32> to vector<1x16xf32>
      tpu.vector_store %arg18[%swap3A_134, %swap3A_135], %swap3A_138 {strides = array<i32>} : memref<80x16xf32, #tpu.memory_space<vmem>>, vector<1x16xf32>,
    }
    %scan3A_31 = arith.constant 80 : i32
    %add3A_32 = arith.constant 0 : i32
    %add3A_33 = arith.addi %mul3A_26, %add3A_32 : i32
    "tpu.region"() ({
      %run_scoped3A = tpu.sem_alloc : memref<!tpu.dma_semaphore, #tpu.memory_space<semaphore_mem>>
      %dma_start3A = arith.constant 0 : i32
      %dma_start3A_114 = tpu.memref_slice %arg19[%add3A_33, %dma_start3A] : memref<10240x64xf32, #tpu.memory_space<vmem_shared>> -> memref<80x64xf32, #tpu.memory_space<vmem_shared>>
      %dma_start3A_115 = arith.constant 0 : i32
      %dma_start3A_116 = tpu.memref_slice %arg19[%add3A_33, %dma_start3A_115] : memref<10240x64xf32, #tpu.memory_space<vmem_shared>> -> memref<80x64xf32, #tpu.memory_space<vmem_shared>>
      tpu.enqueue_dma source(%arg17 : memref<80x64xf32, #tpu.memory_space<vmem>>) target(%dma_start3A_116 : memref<80x64xf32, #tpu.memory_space<vmem_shared>>) target_semaphore(%run_scoped3A : memref<!tpu.dma_semaphore, #tpu.memory_space<semaphore_mem>>)
      %dma_wait3A = arith.constant 0 : i32
      %dma_wait3A_117 = tpu.memref_slice %arg19[%add3A_33, %dma_wait3A] : memref<10240x64xf32, #tpu.memory_space<vmem_shared>> -> memref<80x64xf32, #tpu.memory_space<vmem_shared>>
      %dma_wait3A_118 = arith.constant 0 : i32
      %dma_wait3A_119 = tpu.memref_slice %arg19[%add3A_33, %dma_wait3A_118] : memref<10240x64xf32, #tpu.memory_space<vmem_shared>> -> memref<80x64xf32, #tpu.memory_space<vmem_shared>>
      tpu.wait_dma2 semaphore(%run_scoped3A : memref<!tpu.dma_semaphore, #tpu.memory_space<semaphore_mem>>) src(%arg17 : memref<80x64xf32, #tpu.memory_space<vmem>>) dst(%dma_wait3A_119 : memref<80x64xf32, #tpu.memory_space<vmem_shared>>)
      tpu.yield
    }) : () -> ()
    %add3A_34 = arith.constant 0 : i32
    %add3A_35 = arith.addi %mul3A_26, %add3A_34 : i32
    "tpu.region"() ({
      %run_scoped3A = tpu.sem_alloc : memref<!tpu.dma_semaphore, #tpu.memory_space<semaphore_mem>>
      %dma_start3A = arith.constant 0 : i32
      %dma_start3A_114 = tpu.memref_slice %arg20[%add3A_35, %dma_start3A] : memref<10240x16xf32, #tpu.memory_space<vmem_shared>> -> memref<80x16xf32, #tpu.memory_space<vmem_shared>>
      %dma_start3A_115 = arith.constant 0 : i32
      %dma_start3A_116 = tpu.memref_slice %arg20[%add3A_35, %dma_start3A_115] : memref<10240x16xf32, #tpu.memory_space<vmem_shared>> -> memref<80x16xf32, #tpu.memory_space<vmem_shared>>
      tpu.enqueue_dma source(%arg18 : memref<80x16xf32, #tpu.memory_space<vmem>>) target(%dma_start3A_116 : memref<80x16xf32, #tpu.memory_space<vmem_shared>>) target_semaphore(%run_scoped3A : memref<!tpu.dma_semaphore, #tpu.memory_space<semaphore_mem>>)
      %dma_wait3A = arith.constant 0 : i32
      %dma_wait3A_117 = tpu.memref_slice %arg20[%add3A_35, %dma_wait3A] : memref<10240x16xf32, #tpu.memory_space<vmem_shared>> -> memref<80x16xf32, #tpu.memory_space<vmem_shared>>
      %dma_wait3A_118 = arith.constant 0 : i32
      %dma_wait3A_119 = tpu.memref_slice %arg20[%add3A_35, %dma_wait3A_118] : memref<10240x16xf32, #tpu.memory_space<vmem_shared>> -> memref<80x16xf32, #tpu.memory_space<vmem_shared>>
      tpu.wait_dma2 semaphore(%run_scoped3A : memref<!tpu.dma_semaphore, #tpu.memory_space<semaphore_mem>>) src(%arg18 : memref<80x16xf32, #tpu.memory_space<vmem>>) dst(%dma_wait3A_119 : memref<80x16xf32, #tpu.memory_space<vmem_shared>>)
      tpu.yield
    }) : () -> ()
    %add3A_36 = arith.constant 80 : i32
    %add3A_37 = arith.addi %mul3A_26, %add3A_36 : i32
    "tpu.region"() ({
      %run_scoped3A = tpu.sem_alloc : memref<!tpu.dma_semaphore, #tpu.memory_space<semaphore_mem>>
      %dma_start3A = arith.constant 0 : i32
      %dma_start3A_114 = tpu.memref_slice %arg19[%add3A_37, %dma_start3A] : memref<10240x64xf32, #tpu.memory_space<vmem_shared>> -> memref<80x64xf32, #tpu.memory_space<vmem_shared>>
      %dma_start3A_115 = arith.constant 0 : i32
      %dma_start3A_116 = tpu.memref_slice %arg19[%add3A_37, %dma_start3A_115] : memref<10240x64xf32, #tpu.memory_space<vmem_shared>> -> memref<80x64xf32, #tpu.memory_space<vmem_shared>>
      tpu.enqueue_dma source(%arg17 : memref<80x64xf32, #tpu.memory_space<vmem>>) target(%dma_start3A_116 : memref<80x64xf32, #tpu.memory_space<vmem_shared>>) target_semaphore(%run_scoped3A : memref<!tpu.dma_semaphore, #tpu.memory_space<semaphore_mem>>)
      %dma_wait3A = arith.constant 0 : i32
      %dma_wait3A_117 = tpu.memref_slice %arg19[%add3A_37, %dma_wait3A] : memref<10240x64xf32, #tpu.memory_space<vmem_shared>> -> memref<80x64xf32, #tpu.memory_space<vmem_shared>>
      %dma_wait3A_118 = arith.constant 0 : i32
      %dma_wait3A_119 = tpu.memref_slice %arg19[%add3A_37, %dma_wait3A_118] : memref<10240x64xf32, #tpu.memory_space<vmem_shared>> -> memref<80x64xf32, #tpu.memory_space<vmem_shared>>
      tpu.wait_dma2 semaphore(%run_scoped3A : memref<!tpu.dma_semaphore, #tpu.memory_space<semaphore_mem>>) src(%arg17 : memref<80x64xf32, #tpu.memory_space<vmem>>) dst(%dma_wait3A_119 : memref<80x64xf32, #tpu.memory_space<vmem_shared>>)
      tpu.yield
    }) : () -> ()
    %add3A_38 = arith.constant 80 : i32
    %add3A_39 = arith.addi %mul3A_26, %add3A_38 : i32
    "tpu.region"() ({
      %run_scoped3A = tpu.sem_alloc : memref<!tpu.dma_semaphore, #tpu.memory_space<semaphore_mem>>
      %dma_start3A = arith.constant 0 : i32
      %dma_start3A_114 = tpu.memref_slice %arg20[%add3A_39, %dma_start3A] : memref<10240x16xf32, #tpu.memory_space<vmem_shared>> -> memref<80x16xf32, #tpu.memory_space<vmem_shared>>
      %dma_start3A_115 = arith.constant 0 : i32
      %dma_start3A_116 = tpu.memref_slice %arg20[%add3A_39, %dma_start3A_115] : memref<10240x16xf32, #tpu.memory_space<vmem_shared>> -> memref<80x16xf32, #tpu.memory_space<vmem_shared>>
      tpu.enqueue_dma source(%arg18 : memref<80x16xf32, #tpu.memory_space<vmem>>) target(%dma_start3A_116 : memref<80x16xf32, #tpu.memory_space<vmem_shared>>) target_semaphore(%run_scoped3A : memref<!tpu.dma_semaphore, #tpu.memory_space<semaphore_mem>>)
      %dma_wait3A = arith.constant 0 : i32
      %dma_wait3A_117 = tpu.memref_slice %arg20[%add3A_39, %dma_wait3A] : memref<10240x16xf32, #tpu.memory_space<vmem_shared>> -> memref<80x16xf32, #tpu.memory_space<vmem_shared>>
      %dma_wait3A_118 = arith.constant 0 : i32
      %dma_wait3A_119 = tpu.memref_slice %arg20[%add3A_39, %dma_wait3A_118] : memref<10240x16xf32, #tpu.memory_space<vmem_shared>> -> memref<80x16xf32, #tpu.memory_space<vmem_shared>>
      tpu.wait_dma2 semaphore(%run_scoped3A : memref<!tpu.dma_semaphore, #tpu.memory_space<semaphore_mem>>) src(%arg18 : memref<80x16xf32, #tpu.memory_space<vmem>>) dst(%dma_wait3A_119 : memref<80x16xf32, #tpu.memory_space<vmem_shared>>)
      tpu.yield
    }) : () -> ()
    %add3A_40 = arith.constant 160 : i32
    %add3A_41 = arith.addi %mul3A_26, %add3A_40 : i32
    "tpu.region"() ({
      %run_scoped3A = tpu.sem_alloc : memref<!tpu.dma_semaphore, #tpu.memory_space<semaphore_mem>>
      %dma_start3A = arith.constant 0 : i32
      %dma_start3A_114 = tpu.memref_slice %arg19[%add3A_41, %dma_start3A] : memref<10240x64xf32, #tpu.memory_space<vmem_shared>> -> memref<80x64xf32, #tpu.memory_space<vmem_shared>>
      %dma_start3A_115 = arith.constant 0 : i32
      %dma_start3A_116 = tpu.memref_slice %arg19[%add3A_41, %dma_start3A_115] : memref<10240x64xf32, #tpu.memory_space<vmem_shared>> -> memref<80x64xf32, #tpu.memory_space<vmem_shared>>
      tpu.enqueue_dma source(%arg17 : memref<80x64xf32, #tpu.memory_space<vmem>>) target(%dma_start3A_116 : memref<80x64xf32, #tpu.memory_space<vmem_shared>>) target_semaphore(%run_scoped3A : memref<!tpu.dma_semaphore, #tpu.memory_space<semaphore_mem>>)
      %dma_wait3A = arith.constant 0 : i32
      %dma_wait3A_117 = tpu.memref_slice %arg19[%add3A_41, %dma_wait3A] : memref<10240x64xf32, #tpu.memory_space<vmem_shared>> -> memref<80x64xf32, #tpu.memory_space<vmem_shared>>
      %dma_wait3A_118 = arith.constant 0 : i32
      %dma_wait3A_119 = tpu.memref_slice %arg19[%add3A_41, %dma_wait3A_118] : memref<10240x64xf32, #tpu.memory_space<vmem_shared>> -> memref<80x64xf32, #tpu.memory_space<vmem_shared>>
      tpu.wait_dma2 semaphore(%run_scoped3A : memref<!tpu.dma_semaphore, #tpu.memory_space<semaphore_mem>>) src(%arg17 : memref<80x64xf32, #tpu.memory_space<vmem>>) dst(%dma_wait3A_119 : memref<80x64xf32, #tpu.memory_space<vmem_shared>>)
      tpu.yield
    }) : () -> ()
    %add3A_42 = arith.constant 160 : i32
    %add3A_43 = arith.addi %mul3A_26, %add3A_42 : i32
    "tpu.region"() ({
      %run_scoped3A = tpu.sem_alloc : memref<!tpu.dma_semaphore, #tpu.memory_space<semaphore_mem>>
      %dma_start3A = arith.constant 0 : i32
      %dma_start3A_114 = tpu.memref_slice %arg20[%add3A_43, %dma_start3A] : memref<10240x16xf32, #tpu.memory_space<vmem_shared>> -> memref<80x16xf32, #tpu.memory_space<vmem_shared>>
      %dma_start3A_115 = arith.constant 0 : i32
      %dma_start3A_116 = tpu.memref_slice %arg20[%add3A_43, %dma_start3A_115] : memref<10240x16xf32, #tpu.memory_space<vmem_shared>> -> memref<80x16xf32, #tpu.memory_space<vmem_shared>>
      tpu.enqueue_dma source(%arg18 : memref<80x16xf32, #tpu.memory_space<vmem>>) target(%dma_start3A_116 : memref<80x16xf32, #tpu.memory_space<vmem_shared>>) target_semaphore(%run_scoped3A : memref<!tpu.dma_semaphore, #tpu.memory_space<semaphore_mem>>)
      %dma_wait3A = arith.constant 0 : i32
      %dma_wait3A_117 = tpu.memref_slice %arg20[%add3A_43, %dma_wait3A] : memref<10240x16xf32, #tpu.memory_space<vmem_shared>> -> memref<80x16xf32, #tpu.memory_space<vmem_shared>>
      %dma_wait3A_118 = arith.constant 0 : i32
      %dma_wait3A_119 = tpu.memref_slice %arg20[%add3A_43, %dma_wait3A_118] : memref<10240x16xf32, #tpu.memory_space<vmem_shared>> -> memref<80x16xf32, #tpu.memory_space<vmem_shared>>
      tpu.wait_dma2 semaphore(%run_scoped3A : memref<!tpu.dma_semaphore, #tpu.memory_space<semaphore_mem>>) src(%arg18 : memref<80x16xf32, #tpu.memory_space<vmem>>) dst(%dma_wait3A_119 : memref<80x16xf32, #tpu.memory_space<vmem_shared>>)
      tpu.yield
    }) : () -> ()
    %add3A_44 = arith.constant 240 : i32
    %add3A_45 = arith.addi %mul3A_26, %add3A_44 : i32
    "tpu.region"() ({
      %run_scoped3A = tpu.sem_alloc : memref<!tpu.dma_semaphore, #tpu.memory_space<semaphore_mem>>
      %dma_start3A = arith.constant 0 : i32
      %dma_start3A_114 = tpu.memref_slice %arg19[%add3A_45, %dma_start3A] : memref<10240x64xf32, #tpu.memory_space<vmem_shared>> -> memref<80x64xf32, #tpu.memory_space<vmem_shared>>
      %dma_start3A_115 = arith.constant 0 : i32
      %dma_start3A_116 = tpu.memref_slice %arg19[%add3A_45, %dma_start3A_115] : memref<10240x64xf32, #tpu.memory_space<vmem_shared>> -> memref<80x64xf32, #tpu.memory_space<vmem_shared>>
      tpu.enqueue_dma source(%arg17 : memref<80x64xf32, #tpu.memory_space<vmem>>) target(%dma_start3A_116 : memref<80x64xf32, #tpu.memory_space<vmem_shared>>) target_semaphore(%run_scoped3A : memref<!tpu.dma_semaphore, #tpu.memory_space<semaphore_mem>>)
      %dma_wait3A = arith.constant 0 : i32
      %dma_wait3A_117 = tpu.memref_slice %arg19[%add3A_45, %dma_wait3A] : memref<10240x64xf32, #tpu.memory_space<vmem_shared>> -> memref<80x64xf32, #tpu.memory_space<vmem_shared>>
      %dma_wait3A_118 = arith.constant 0 : i32
      %dma_wait3A_119 = tpu.memref_slice %arg19[%add3A_45, %dma_wait3A_118] : memref<10240x64xf32, #tpu.memory_space<vmem_shared>> -> memref<80x64xf32, #tpu.memory_space<vmem_shared>>
      tpu.wait_dma2 semaphore(%run_scoped3A : memref<!tpu.dma_semaphore, #tpu.memory_space<semaphore_mem>>) src(%arg17 : memref<80x64xf32, #tpu.memory_space<vmem>>) dst(%dma_wait3A_119 : memref<80x64xf32, #tpu.memory_space<vmem_shared>>)
      tpu.yield
    }) : () -> ()
    %add3A_46 = arith.constant 240 : i32
    %add3A_47 = arith.addi %mul3A_26, %add3A_46 : i32
    "tpu.region"() ({
      %run_scoped3A = tpu.sem_alloc : memref<!tpu.dma_semaphore, #tpu.memory_space<semaphore_mem>>
      %dma_start3A = arith.constant 0 : i32
      %dma_start3A_114 = tpu.memref_slice %arg20[%add3A_47, %dma_start3A] : memref<10240x16xf32, #tpu.memory_space<vmem_shared>> -> memref<80x16xf32, #tpu.memory_space<vmem_shared>>
      %dma_start3A_115 = arith.constant 0 : i32
      %dma_start3A_116 = tpu.memref_slice %arg20[%add3A_47, %dma_start3A_115] : memref<10240x16xf32, #tpu.memory_space<vmem_shared>> -> memref<80x16xf32, #tpu.memory_space<vmem_shared>>
      tpu.enqueue_dma source(%arg18 : memref<80x16xf32, #tpu.memory_space<vmem>>) target(%dma_start3A_116 : memref<80x16xf32, #tpu.memory_space<vmem_shared>>) target_semaphore(%run_scoped3A : memref<!tpu.dma_semaphore, #tpu.memory_space<semaphore_mem>>)
      %dma_wait3A = arith.constant 0 : i32
      %dma_wait3A_117 = tpu.memref_slice %arg20[%add3A_47, %dma_wait3A] : memref<10240x16xf32, #tpu.memory_space<vmem_shared>> -> memref<80x16xf32, #tpu.memory_space<vmem_shared>>
      %dma_wait3A_118 = arith.constant 0 : i32
      %dma_wait3A_119 = tpu.memref_slice %arg20[%add3A_47, %dma_wait3A_118] : memref<10240x16xf32, #tpu.memory_space<vmem_shared>> -> memref<80x16xf32, #tpu.memory_space<vmem_shared>>
      tpu.wait_dma2 semaphore(%run_scoped3A : memref<!tpu.dma_semaphore, #tpu.memory_space<semaphore_mem>>) src(%arg18 : memref<80x16xf32, #tpu.memory_space<vmem>>) dst(%dma_wait3A_119 : memref<80x16xf32, #tpu.memory_space<vmem_shared>>)
      tpu.yield
    }) : () -> ()
    %add3A_48 = arith.constant 320 : i32
    %add3A_49 = arith.addi %mul3A_26, %add3A_48 : i32
    "tpu.region"() ({
      %run_scoped3A = tpu.sem_alloc : memref<!tpu.dma_semaphore, #tpu.memory_space<semaphore_mem>>
      %dma_start3A = arith.constant 0 : i32
      %dma_start3A_114 = tpu.memref_slice %arg19[%add3A_49, %dma_start3A] : memref<10240x64xf32, #tpu.memory_space<vmem_shared>> -> memref<80x64xf32, #tpu.memory_space<vmem_shared>>
      %dma_start3A_115 = arith.constant 0 : i32
      %dma_start3A_116 = tpu.memref_slice %arg19[%add3A_49, %dma_start3A_115] : memref<10240x64xf32, #tpu.memory_space<vmem_shared>> -> memref<80x64xf32, #tpu.memory_space<vmem_shared>>
      tpu.enqueue_dma source(%arg17 : memref<80x64xf32, #tpu.memory_space<vmem>>) target(%dma_start3A_116 : memref<80x64xf32, #tpu.memory_space<vmem_shared>>) target_semaphore(%run_scoped3A : memref<!tpu.dma_semaphore, #tpu.memory_space<semaphore_mem>>)
      %dma_wait3A = arith.constant 0 : i32
      %dma_wait3A_117 = tpu.memref_slice %arg19[%add3A_49, %dma_wait3A] : memref<10240x64xf32, #tpu.memory_space<vmem_shared>> -> memref<80x64xf32, #tpu.memory_space<vmem_shared>>
      %dma_wait3A_118 = arith.constant 0 : i32
      %dma_wait3A_119 = tpu.memref_slice %arg19[%add3A_49, %dma_wait3A_118] : memref<10240x64xf32, #tpu.memory_space<vmem_shared>> -> memref<80x64xf32, #tpu.memory_space<vmem_shared>>
      tpu.wait_dma2 semaphore(%run_scoped3A : memref<!tpu.dma_semaphore, #tpu.memory_space<semaphore_mem>>) src(%arg17 : memref<80x64xf32, #tpu.memory_space<vmem>>) dst(%dma_wait3A_119 : memref<80x64xf32, #tpu.memory_space<vmem_shared>>)
      tpu.yield
    }) : () -> ()
    %add3A_50 = arith.constant 320 : i32
    %add3A_51 = arith.addi %mul3A_26, %add3A_50 : i32
    "tpu.region"() ({
      %run_scoped3A = tpu.sem_alloc : memref<!tpu.dma_semaphore, #tpu.memory_space<semaphore_mem>>
      %dma_start3A = arith.constant 0 : i32
      %dma_start3A_114 = tpu.memref_slice %arg20[%add3A_51, %dma_start3A] : memref<10240x16xf32, #tpu.memory_space<vmem_shared>> -> memref<80x16xf32, #tpu.memory_space<vmem_shared>>
      %dma_start3A_115 = arith.constant 0 : i32
      %dma_start3A_116 = tpu.memref_slice %arg20[%add3A_51, %dma_start3A_115] : memref<10240x16xf32, #tpu.memory_space<vmem_shared>> -> memref<80x16xf32, #tpu.memory_space<vmem_shared>>
      tpu.enqueue_dma source(%arg18 : memref<80x16xf32, #tpu.memory_space<vmem>>) target(%dma_start3A_116 : memref<80x16xf32, #tpu.memory_space<vmem_shared>>) target_semaphore(%run_scoped3A : memref<!tpu.dma_semaphore, #tpu.memory_space<semaphore_mem>>)
      %dma_wait3A = arith.constant 0 : i32
      %dma_wait3A_117 = tpu.memref_slice %arg20[%add3A_51, %dma_wait3A] : memref<10240x16xf32, #tpu.memory_space<vmem_shared>> -> memref<80x16xf32, #tpu.memory_space<vmem_shared>>
      %dma_wait3A_118 = arith.constant 0 : i32
      %dma_wait3A_119 = tpu.memref_slice %arg20[%add3A_51, %dma_wait3A_118] : memref<10240x16xf32, #tpu.memory_space<vmem_shared>> -> memref<80x16xf32, #tpu.memory_space<vmem_shared>>
      tpu.wait_dma2 semaphore(%run_scoped3A : memref<!tpu.dma_semaphore, #tpu.memory_space<semaphore_mem>>) src(%arg18 : memref<80x16xf32, #tpu.memory_space<vmem>>) dst(%dma_wait3A_119 : memref<80x16xf32, #tpu.memory_space<vmem_shared>>)
      tpu.yield
    }) : () -> ()
    %add3A_52 = arith.constant 400 : i32
    %add3A_53 = arith.addi %mul3A_26, %add3A_52 : i32
    "tpu.region"() ({
      %run_scoped3A = tpu.sem_alloc : memref<!tpu.dma_semaphore, #tpu.memory_space<semaphore_mem>>
      %dma_start3A = arith.constant 0 : i32
      %dma_start3A_114 = tpu.memref_slice %arg19[%add3A_53, %dma_start3A] : memref<10240x64xf32, #tpu.memory_space<vmem_shared>> -> memref<80x64xf32, #tpu.memory_space<vmem_shared>>
      %dma_start3A_115 = arith.constant 0 : i32
      %dma_start3A_116 = tpu.memref_slice %arg19[%add3A_53, %dma_start3A_115] : memref<10240x64xf32, #tpu.memory_space<vmem_shared>> -> memref<80x64xf32, #tpu.memory_space<vmem_shared>>
      tpu.enqueue_dma source(%arg17 : memref<80x64xf32, #tpu.memory_space<vmem>>) target(%dma_start3A_116 : memref<80x64xf32, #tpu.memory_space<vmem_shared>>) target_semaphore(%run_scoped3A : memref<!tpu.dma_semaphore, #tpu.memory_space<semaphore_mem>>)
      %dma_wait3A = arith.constant 0 : i32
      %dma_wait3A_117 = tpu.memref_slice %arg19[%add3A_53, %dma_wait3A] : memref<10240x64xf32, #tpu.memory_space<vmem_shared>> -> memref<80x64xf32, #tpu.memory_space<vmem_shared>>
      %dma_wait3A_118 = arith.constant 0 : i32
      %dma_wait3A_119 = tpu.memref_slice %arg19[%add3A_53, %dma_wait3A_118] : memref<10240x64xf32, #tpu.memory_space<vmem_shared>> -> memref<80x64xf32, #tpu.memory_space<vmem_shared>>
      tpu.wait_dma2 semaphore(%run_scoped3A : memref<!tpu.dma_semaphore, #tpu.memory_space<semaphore_mem>>) src(%arg17 : memref<80x64xf32, #tpu.memory_space<vmem>>) dst(%dma_wait3A_119 : memref<80x64xf32, #tpu.memory_space<vmem_shared>>)
      tpu.yield
    }) : () -> ()
    %add3A_54 = arith.constant 400 : i32
    %add3A_55 = arith.addi %mul3A_26, %add3A_54 : i32
    "tpu.region"() ({
      %run_scoped3A = tpu.sem_alloc : memref<!tpu.dma_semaphore, #tpu.memory_space<semaphore_mem>>
      %dma_start3A = arith.constant 0 : i32
      %dma_start3A_114 = tpu.memref_slice %arg20[%add3A_55, %dma_start3A] : memref<10240x16xf32, #tpu.memory_space<vmem_shared>> -> memref<80x16xf32, #tpu.memory_space<vmem_shared>>
      %dma_start3A_115 = arith.constant 0 : i32
      %dma_start3A_116 = tpu.memref_slice %arg20[%add3A_55, %dma_start3A_115] : memref<10240x16xf32, #tpu.memory_space<vmem_shared>> -> memref<80x16xf32, #tpu.memory_space<vmem_shared>>
      tpu.enqueue_dma source(%arg18 : memref<80x16xf32, #tpu.memory_space<vmem>>) target(%dma_start3A_116 : memref<80x16xf32, #tpu.memory_space<vmem_shared>>) target_semaphore(%run_scoped3A : memref<!tpu.dma_semaphore, #tpu.memory_space<semaphore_mem>>)
      %dma_wait3A = arith.constant 0 : i32
      %dma_wait3A_117 = tpu.memref_slice %arg20[%add3A_55, %dma_wait3A] : memref<10240x16xf32, #tpu.memory_space<vmem_shared>> -> memref<80x16xf32, #tpu.memory_space<vmem_shared>>
      %dma_wait3A_118 = arith.constant 0 : i32
      %dma_wait3A_119 = tpu.memref_slice %arg20[%add3A_55, %dma_wait3A_118] : memref<10240x16xf32, #tpu.memory_space<vmem_shared>> -> memref<80x16xf32, #tpu.memory_space<vmem_shared>>
      tpu.wait_dma2 semaphore(%run_scoped3A : memref<!tpu.dma_semaphore, #tpu.memory_space<semaphore_mem>>) src(%arg18 : memref<80x16xf32, #tpu.memory_space<vmem>>) dst(%dma_wait3A_119 : memref<80x16xf32, #tpu.memory_space<vmem_shared>>)
      tpu.yield
    }) : () -> ()
    %add3A_56 = arith.constant 480 : i32
    %add3A_57 = arith.addi %mul3A_26, %add3A_56 : i32
    "tpu.region"() ({
      %run_scoped3A = tpu.sem_alloc : memref<!tpu.dma_semaphore, #tpu.memory_space<semaphore_mem>>
      %dma_start3A = arith.constant 0 : i32
      %dma_start3A_114 = tpu.memref_slice %arg19[%add3A_57, %dma_start3A] : memref<10240x64xf32, #tpu.memory_space<vmem_shared>> -> memref<80x64xf32, #tpu.memory_space<vmem_shared>>
      %dma_start3A_115 = arith.constant 0 : i32
      %dma_start3A_116 = tpu.memref_slice %arg19[%add3A_57, %dma_start3A_115] : memref<10240x64xf32, #tpu.memory_space<vmem_shared>> -> memref<80x64xf32, #tpu.memory_space<vmem_shared>>
      tpu.enqueue_dma source(%arg17 : memref<80x64xf32, #tpu.memory_space<vmem>>) target(%dma_start3A_116 : memref<80x64xf32, #tpu.memory_space<vmem_shared>>) target_semaphore(%run_scoped3A : memref<!tpu.dma_semaphore, #tpu.memory_space<semaphore_mem>>)
      %dma_wait3A = arith.constant 0 : i32
      %dma_wait3A_117 = tpu.memref_slice %arg19[%add3A_57, %dma_wait3A] : memref<10240x64xf32, #tpu.memory_space<vmem_shared>> -> memref<80x64xf32, #tpu.memory_space<vmem_shared>>
      %dma_wait3A_118 = arith.constant 0 : i32
      %dma_wait3A_119 = tpu.memref_slice %arg19[%add3A_57, %dma_wait3A_118] : memref<10240x64xf32, #tpu.memory_space<vmem_shared>> -> memref<80x64xf32, #tpu.memory_space<vmem_shared>>
      tpu.wait_dma2 semaphore(%run_scoped3A : memref<!tpu.dma_semaphore, #tpu.memory_space<semaphore_mem>>) src(%arg17 : memref<80x64xf32, #tpu.memory_space<vmem>>) dst(%dma_wait3A_119 : memref<80x64xf32, #tpu.memory_space<vmem_shared>>)
      tpu.yield
    }) : () -> ()
    %add3A_58 = arith.constant 480 : i32
    %add3A_59 = arith.addi %mul3A_26, %add3A_58 : i32
    "tpu.region"() ({
      %run_scoped3A = tpu.sem_alloc : memref<!tpu.dma_semaphore, #tpu.memory_space<semaphore_mem>>
      %dma_start3A = arith.constant 0 : i32
      %dma_start3A_114 = tpu.memref_slice %arg20[%add3A_59, %dma_start3A] : memref<10240x16xf32, #tpu.memory_space<vmem_shared>> -> memref<80x16xf32, #tpu.memory_space<vmem_shared>>
      %dma_start3A_115 = arith.constant 0 : i32
      %dma_start3A_116 = tpu.memref_slice %arg20[%add3A_59, %dma_start3A_115] : memref<10240x16xf32, #tpu.memory_space<vmem_shared>> -> memref<80x16xf32, #tpu.memory_space<vmem_shared>>
      tpu.enqueue_dma source(%arg18 : memref<80x16xf32, #tpu.memory_space<vmem>>) target(%dma_start3A_116 : memref<80x16xf32, #tpu.memory_space<vmem_shared>>) target_semaphore(%run_scoped3A : memref<!tpu.dma_semaphore, #tpu.memory_space<semaphore_mem>>)
      %dma_wait3A = arith.constant 0 : i32
      %dma_wait3A_117 = tpu.memref_slice %arg20[%add3A_59, %dma_wait3A] : memref<10240x16xf32, #tpu.memory_space<vmem_shared>> -> memref<80x16xf32, #tpu.memory_space<vmem_shared>>
      %dma_wait3A_118 = arith.constant 0 : i32
      %dma_wait3A_119 = tpu.memref_slice %arg20[%add3A_59, %dma_wait3A_118] : memref<10240x16xf32, #tpu.memory_space<vmem_shared>> -> memref<80x16xf32, #tpu.memory_space<vmem_shared>>
      tpu.wait_dma2 semaphore(%run_scoped3A : memref<!tpu.dma_semaphore, #tpu.memory_space<semaphore_mem>>) src(%arg18 : memref<80x16xf32, #tpu.memory_space<vmem>>) dst(%dma_wait3A_119 : memref<80x16xf32, #tpu.memory_space<vmem_shared>>)
      tpu.yield
    }) : () -> ()
    %add3A_60 = arith.constant 560 : i32
    %add3A_61 = arith.addi %mul3A_26, %add3A_60 : i32
    "tpu.region"() ({
      %run_scoped3A = tpu.sem_alloc : memref<!tpu.dma_semaphore, #tpu.memory_space<semaphore_mem>>
      %dma_start3A = arith.constant 0 : i32
      %dma_start3A_114 = tpu.memref_slice %arg19[%add3A_61, %dma_start3A] : memref<10240x64xf32, #tpu.memory_space<vmem_shared>> -> memref<80x64xf32, #tpu.memory_space<vmem_shared>>
      %dma_start3A_115 = arith.constant 0 : i32
      %dma_start3A_116 = tpu.memref_slice %arg19[%add3A_61, %dma_start3A_115] : memref<10240x64xf32, #tpu.memory_space<vmem_shared>> -> memref<80x64xf32, #tpu.memory_space<vmem_shared>>
      tpu.enqueue_dma source(%arg17 : memref<80x64xf32, #tpu.memory_space<vmem>>) target(%dma_start3A_116 : memref<80x64xf32, #tpu.memory_space<vmem_shared>>) target_semaphore(%run_scoped3A : memref<!tpu.dma_semaphore, #tpu.memory_space<semaphore_mem>>)
      %dma_wait3A = arith.constant 0 : i32
      %dma_wait3A_117 = tpu.memref_slice %arg19[%add3A_61, %dma_wait3A] : memref<10240x64xf32, #tpu.memory_space<vmem_shared>> -> memref<80x64xf32, #tpu.memory_space<vmem_shared>>
      %dma_wait3A_118 = arith.constant 0 : i32
      %dma_wait3A_119 = tpu.memref_slice %arg19[%add3A_61, %dma_wait3A_118] : memref<10240x64xf32, #tpu.memory_space<vmem_shared>> -> memref<80x64xf32, #tpu.memory_space<vmem_shared>>
      tpu.wait_dma2 semaphore(%run_scoped3A : memref<!tpu.dma_semaphore, #tpu.memory_space<semaphore_mem>>) src(%arg17 : memref<80x64xf32, #tpu.memory_space<vmem>>) dst(%dma_wait3A_119 : memref<80x64xf32, #tpu.memory_space<vmem_shared>>)
      tpu.yield
    }) : () -> ()
    %add3A_62 = arith.constant 560 : i32
    %add3A_63 = arith.addi %mul3A_26, %add3A_62 : i32
    "tpu.region"() ({
      %run_scoped3A = tpu.sem_alloc : memref<!tpu.dma_semaphore, #tpu.memory_space<semaphore_mem>>
      %dma_start3A = arith.constant 0 : i32
      %dma_start3A_114 = tpu.memref_slice %arg20[%add3A_63, %dma_start3A] : memref<10240x16xf32, #tpu.memory_space<vmem_shared>> -> memref<80x16xf32, #tpu.memory_space<vmem_shared>>
      %dma_start3A_115 = arith.constant 0 : i32
      %dma_start3A_116 = tpu.memref_slice %arg20[%add3A_63, %dma_start3A_115] : memref<10240x16xf32, #tpu.memory_space<vmem_shared>> -> memref<80x16xf32, #tpu.memory_space<vmem_shared>>
      tpu.enqueue_dma source(%arg18 : memref<80x16xf32, #tpu.memory_space<vmem>>) target(%dma_start3A_116 : memref<80x16xf32, #tpu.memory_space<vmem_shared>>) target_semaphore(%run_scoped3A : memref<!tpu.dma_semaphore, #tpu.memory_space<semaphore_mem>>)
      %dma_wait3A = arith.constant 0 : i32
      %dma_wait3A_117 = tpu.memref_slice %arg20[%add3A_63, %dma_wait3A] : memref<10240x16xf32, #tpu.memory_space<vmem_shared>> -> memref<80x16xf32, #tpu.memory_space<vmem_shared>>
      %dma_wait3A_118 = arith.constant 0 : i32
      %dma_wait3A_119 = tpu.memref_slice %arg20[%add3A_63, %dma_wait3A_118] : memref<10240x16xf32, #tpu.memory_space<vmem_shared>> -> memref<80x16xf32, #tpu.memory_space<vmem_shared>>
      tpu.wait_dma2 semaphore(%run_scoped3A : memref<!tpu.dma_semaphore, #tpu.memory_space<semaphore_mem>>) src(%arg18 : memref<80x16xf32, #tpu.memory_space<vmem>>) dst(%dma_wait3A_119 : memref<80x16xf32, #tpu.memory_space<vmem_shared>>)
      tpu.yield
    }) : () -> ()
    %barrier3A = arith.constant 0 : index
    tpu.barrier barrier_id(%barrier3A)
    %scan3A_64 = arith.constant 0 : i32
    %scan3A_65 = arith.constant 0 : i32
    %scan3A_66 = arith.constant 125 : i32
    %scan3A_67 = arith.addi %scan3A_65, %scan3A_66 : i32
    %scan3A_68 = arith.constant 1 : i32
    scf.for %scan3A_114 = %scan3A_65 to %scan3A_67 step %scan3A_68  : i32 {
      %mul3A_115 = arith.constant 10000 : i32
      %mul3A_116 = arith.muli %add3A, %mul3A_115 : i32
      %mul3A_117 = arith.constant 80 : i32
      %mul3A_118 = arith.muli %scan3A_114, %mul3A_117 : i32
      %add3A_119 = arith.addi %mul3A_116, %mul3A_118 : i32
      "tpu.region"() ({
        %run_scoped3A = tpu.sem_alloc : memref<!tpu.dma_semaphore, #tpu.memory_space<semaphore_mem>>
        %dma_start3A_142 = tpu.memref_slice %arg8[%add3A_119] : memref<320000xi32, #tpu.memory_space<hbm>> -> memref<80xi32, #tpu.memory_space<hbm>>
        %dma_start3A_143 = tpu.memref_slice %arg8[%add3A_119] : memref<320000xi32, #tpu.memory_space<hbm>> -> memref<80xi32, #tpu.memory_space<hbm>>
        tpu.enqueue_dma source(%dma_start3A_143 : memref<80xi32, #tpu.memory_space<hbm>>) target(%arg12 : memref<80xi32, #tpu.memory_space<vmem>>) target_semaphore(%run_scoped3A : memref<!tpu.dma_semaphore, #tpu.memory_space<semaphore_mem>>)
        %dma_wait3A_144 = tpu.memref_slice %arg8[%add3A_119] : memref<320000xi32, #tpu.memory_space<hbm>> -> memref<80xi32, #tpu.memory_space<hbm>>
        %dma_wait3A_145 = tpu.memref_slice %arg8[%add3A_119] : memref<320000xi32, #tpu.memory_space<hbm>> -> memref<80xi32, #tpu.memory_space<hbm>>
        tpu.wait_dma2 semaphore(%run_scoped3A : memref<!tpu.dma_semaphore, #tpu.memory_space<semaphore_mem>>) src(%dma_wait3A_145 : memref<80xi32, #tpu.memory_space<hbm>>) dst(%arg12 : memref<80xi32, #tpu.memory_space<vmem>>)
        tpu.yield
      }) : () -> ()
      "tpu.region"() ({
        %run_scoped3A = tpu.sem_alloc : memref<!tpu.dma_semaphore, #tpu.memory_space<semaphore_mem>>
        %dma_start3A_142 = tpu.memref_slice %arg9[%add3A_119] : memref<320000xi32, #tpu.memory_space<hbm>> -> memref<80xi32, #tpu.memory_space<hbm>>
        %dma_start3A_143 = tpu.memref_slice %arg9[%add3A_119] : memref<320000xi32, #tpu.memory_space<hbm>> -> memref<80xi32, #tpu.memory_space<hbm>>
        tpu.enqueue_dma source(%dma_start3A_143 : memref<80xi32, #tpu.memory_space<hbm>>) target(%arg13 : memref<80xi32, #tpu.memory_space<vmem>>) target_semaphore(%run_scoped3A : memref<!tpu.dma_semaphore, #tpu.memory_space<semaphore_mem>>)
        %dma_wait3A_144 = tpu.memref_slice %arg9[%add3A_119] : memref<320000xi32, #tpu.memory_space<hbm>> -> memref<80xi32, #tpu.memory_space<hbm>>
        %dma_wait3A_145 = tpu.memref_slice %arg9[%add3A_119] : memref<320000xi32, #tpu.memory_space<hbm>> -> memref<80xi32, #tpu.memory_space<hbm>>
        tpu.wait_dma2 semaphore(%run_scoped3A : memref<!tpu.dma_semaphore, #tpu.memory_space<semaphore_mem>>) src(%dma_wait3A_145 : memref<80xi32, #tpu.memory_space<hbm>>) dst(%arg13 : memref<80xi32, #tpu.memory_space<vmem>>)
        tpu.yield
      }) : () -> ()
      %dma_start3A = arith.constant 0 : i32
      %dma_start3A_120 = arith.constant 0 : i32
      %dma_start3A_121 = tpu.memref_slice %arg2[%dma_start3A, %dma_start3A_120] : memref<10000x64xf32, #tpu.memory_space<hbm>> -> memref<10000x64xf32, #tpu.memory_space<hbm>>
      tpu.enqueue_indirect_dma source(%dma_start3A_121 : memref<10000x64xf32, #tpu.memory_space<hbm>>) target(%arg14 : memref<80x64xf32, #tpu.memory_space<vmem>>) offsets(%arg13 : memref<80xi32, #tpu.memory_space<vmem>>) semaphore(%arg21 : memref<!tpu.dma_semaphore, #tpu.memory_space<semaphore_mem>>)
      %dma_start3A_122 = arith.constant 0 : i32
      %dma_start3A_123 = arith.constant 0 : i32
      %dma_start3A_124 = tpu.memref_slice %arg4[%dma_start3A_122, %dma_start3A_123] : memref<10000x64xf32, #tpu.memory_space<hbm>> -> memref<10000x64xf32, #tpu.memory_space<hbm>>
      tpu.enqueue_indirect_dma source(%dma_start3A_124 : memref<10000x64xf32, #tpu.memory_space<hbm>>) target(%arg15 : memref<80x64xf32, #tpu.memory_space<vmem>>) offsets(%arg12 : memref<80xi32, #tpu.memory_space<vmem>>) semaphore(%arg22 : memref<!tpu.dma_semaphore, #tpu.memory_space<semaphore_mem>>)
      %dma_start3A_125 = arith.constant 0 : i32
      %dma_start3A_126 = arith.constant 0 : i32
      %dma_start3A_127 = tpu.memref_slice %arg6[%dma_start3A_125, %dma_start3A_126] : memref<10000x64xf32, #tpu.memory_space<hbm>> -> memref<10000x64xf32, #tpu.memory_space<hbm>>
      tpu.enqueue_indirect_dma source(%dma_start3A_127 : memref<10000x64xf32, #tpu.memory_space<hbm>>) target(%arg16 : memref<80x64xf32, #tpu.memory_space<vmem>>) offsets(%arg12 : memref<80xi32, #tpu.memory_space<vmem>>) semaphore(%arg23 : memref<!tpu.dma_semaphore, #tpu.memory_space<semaphore_mem>>)
      %dma_wait3A = arith.constant 0 : i32
      %dma_wait3A_128 = arith.constant 0 : i32
      %dma_wait3A_129 = tpu.memref_slice %arg2[%dma_wait3A, %dma_wait3A_128] : memref<10000x64xf32, #tpu.memory_space<hbm>> -> memref<10000x64xf32, #tpu.memory_space<hbm>>
      tpu.wait_indirect_dma semaphore(%arg21 : memref<!tpu.dma_semaphore, #tpu.memory_space<semaphore_mem>>) src(%dma_wait3A_129 : memref<10000x64xf32, #tpu.memory_space<hbm>>) dst(%arg14 : memref<80x64xf32, #tpu.memory_space<vmem>>)
      %dma_wait3A_130 = arith.constant 0 : i32
      %dma_wait3A_131 = arith.constant 0 : i32
      %dma_wait3A_132 = tpu.memref_slice %arg4[%dma_wait3A_130, %dma_wait3A_131] : memref<10000x64xf32, #tpu.memory_space<hbm>> -> memref<10000x64xf32, #tpu.memory_space<hbm>>
      tpu.wait_indirect_dma semaphore(%arg22 : memref<!tpu.dma_semaphore, #tpu.memory_space<semaphore_mem>>) src(%dma_wait3A_132 : memref<10000x64xf32, #tpu.memory_space<hbm>>) dst(%arg15 : memref<80x64xf32, #tpu.memory_space<vmem>>)
      %dma_wait3A_133 = arith.constant 0 : i32
      %dma_wait3A_134 = arith.constant 0 : i32
      %dma_wait3A_135 = tpu.memref_slice %arg6[%dma_wait3A_133, %dma_wait3A_134] : memref<10000x64xf32, #tpu.memory_space<hbm>> -> memref<10000x64xf32, #tpu.memory_space<hbm>>
      tpu.wait_indirect_dma semaphore(%arg23 : memref<!tpu.dma_semaphore, #tpu.memory_space<semaphore_mem>>) src(%dma_wait3A_135 : memref<10000x64xf32, #tpu.memory_space<hbm>>) dst(%arg16 : memref<80x64xf32, #tpu.memory_space<vmem>>)
      %scan3A_136 = arith.constant 0 : i32
      %scan3A_137 = arith.constant 0 : i32
      %scan3A_138 = arith.constant 80 : i32
      %scan3A_139 = arith.addi %scan3A_137, %scan3A_138 : i32
      %scan3A_140 = arith.constant 1 : i32
      scf.for %scan3A_142 = %scan3A_137 to %scan3A_139 step %scan3A_140  : i32 {
        %get3A = arith.index_cast %scan3A_142 : i32 to index
        %get3A_143 = arith.constant 0 : index
        %get3A_144 = tpu.vector_load %arg14[%get3A, %get3A_143] {strides = array<i32>} : memref<80x64xf32, #tpu.memory_space<vmem>>, vector<1x16xf32>,
        %get3A_145 = vector.shape_cast %get3A_144 : vector<1x16xf32> to vector<16xf32>
        %get3A_146 = arith.index_cast %scan3A_142 : i32 to index
        %get3A_147 = arith.constant 0 : index
        %get3A_148 = tpu.vector_load %arg15[%get3A_146, %get3A_147] {strides = array<i32>} : memref<80x64xf32, #tpu.memory_space<vmem>>, vector<1x16xf32>,
        %get3A_149 = vector.shape_cast %get3A_148 : vector<1x16xf32> to vector<16xf32>
        %mul3A_150 = arith.mulf %get3A_145, %get3A_149 : vector<16xf32>
        %get3A_151 = arith.index_cast %scan3A_142 : i32 to index
        %get3A_152 = arith.constant 16 : index
        %get3A_153 = tpu.vector_load %arg14[%get3A_151, %get3A_152] {strides = array<i32>} : memref<80x64xf32, #tpu.memory_space<vmem>>, vector<1x16xf32>,
        %get3A_154 = vector.shape_cast %get3A_153 : vector<1x16xf32> to vector<16xf32>
        %get3A_155 = arith.index_cast %scan3A_142 : i32 to index
        %get3A_156 = arith.constant 16 : index
        %get3A_157 = tpu.vector_load %arg15[%get3A_155, %get3A_156] {strides = array<i32>} : memref<80x64xf32, #tpu.memory_space<vmem>>, vector<1x16xf32>,
        %get3A_158 = vector.shape_cast %get3A_157 : vector<1x16xf32> to vector<16xf32>
        %mul3A_159 = arith.mulf %get3A_154, %get3A_158 : vector<16xf32>
        %add3A_160 = arith.addf %mul3A_150, %mul3A_159 : vector<16xf32>
        %lt3A = arith.constant 0 : i32
        %lt3A_161 = vector.broadcast %lt3A : i32 to vector<16xi32>
        %lt3A_162 = arith.cmpi slt, %and3A_6, %lt3A_161 : vector<16xi32>
        %add3A_163 = arith.constant 16 : i32
        %add3A_164 = vector.broadcast %add3A_163 : i32 to vector<16xi32>
        %add3A_165 = arith.addi %and3A_6, %add3A_164 : vector<16xi32>
        %select_n3A = arith.select %lt3A_162, %add3A_165, %and3A_6 : vector<16xi1>, vector<16xi32>
        %broadcast_in_dim3A_166 = vector.shape_cast %select_n3A : vector<16xi32> to vector<16x1xi32>
        %gather3A = vector.shape_cast %broadcast_in_dim3A_166 : vector<16x1xi32> to vector<16xi32>
        %gather3A_167 = tpu.dynamic_gather %add3A_160[%gather3A] in [0] : vector<16xf32>, vector<16xi32> -> vector<16xf32>
        %add3A_168 = arith.addf %add3A_160, %gather3A_167 : vector<16xf32>
        %lt3A_169 = arith.constant 0 : i32
        %lt3A_170 = vector.broadcast %lt3A_169 : i32 to vector<16xi32>
        %lt3A_171 = arith.cmpi slt, %and3A_12, %lt3A_170 : vector<16xi32>
        %add3A_172 = arith.constant 16 : i32
        %add3A_173 = vector.broadcast %add3A_172 : i32 to vector<16xi32>
        %add3A_174 = arith.addi %and3A_12, %add3A_173 : vector<16xi32>
        %select_n3A_175 = arith.select %lt3A_171, %add3A_174, %and3A_12 : vector<16xi1>, vector<16xi32>
        %broadcast_in_dim3A_176 = vector.shape_cast %select_n3A_175 : vector<16xi32> to vector<16x1xi32>
        %gather3A_177 = vector.shape_cast %broadcast_in_dim3A_176 : vector<16x1xi32> to vector<16xi32>
        %gather3A_178 = tpu.dynamic_gather %add3A_168[%gather3A_177] in [0] : vector<16xf32>, vector<16xi32> -> vector<16xf32>
        %add3A_179 = arith.addf %add3A_168, %gather3A_178 : vector<16xf32>
        %lt3A_180 = arith.constant 0 : i32
        %lt3A_181 = vector.broadcast %lt3A_180 : i32 to vector<16xi32>
        %lt3A_182 = arith.cmpi slt, %and3A_18, %lt3A_181 : vector<16xi32>
        %add3A_183 = arith.constant 16 : i32
        %add3A_184 = vector.broadcast %add3A_183 : i32 to vector<16xi32>
        %add3A_185 = arith.addi %and3A_18, %add3A_184 : vector<16xi32>
        %select_n3A_186 = arith.select %lt3A_182, %add3A_185, %and3A_18 : vector<16xi1>, vector<16xi32>
        %broadcast_in_dim3A_187 = vector.shape_cast %select_n3A_186 : vector<16xi32> to vector<16x1xi32>
        %gather3A_188 = vector.shape_cast %broadcast_in_dim3A_187 : vector<16x1xi32> to vector<16xi32>
        %gather3A_189 = tpu.dynamic_gather %add3A_179[%gather3A_188] in [0] : vector<16xf32>, vector<16xi32> -> vector<16xf32>
        %add3A_190 = arith.addf %add3A_179, %gather3A_189 : vector<16xf32>
        %lt3A_191 = arith.constant 0 : i32
        %lt3A_192 = vector.broadcast %lt3A_191 : i32 to vector<16xi32>
        %lt3A_193 = arith.cmpi slt, %and3A_24, %lt3A_192 : vector<16xi32>
        %add3A_194 = arith.constant 16 : i32
        %add3A_195 = vector.broadcast %add3A_194 : i32 to vector<16xi32>
        %add3A_196 = arith.addi %and3A_24, %add3A_195 : vector<16xi32>
        %select_n3A_197 = arith.select %lt3A_193, %add3A_196, %and3A_24 : vector<16xi1>, vector<16xi32>
        %broadcast_in_dim3A_198 = vector.shape_cast %select_n3A_197 : vector<16xi32> to vector<16x1xi32>
        %gather3A_199 = vector.shape_cast %broadcast_in_dim3A_198 : vector<16x1xi32> to vector<16xi32>
        %gather3A_200 = tpu.dynamic_gather %add3A_190[%gather3A_199] in [0] : vector<16xf32>, vector<16xi32> -> vector<16xf32>
        %add3A_201 = arith.addf %add3A_190, %gather3A_200 : vector<16xf32>
        %exp3A = math.exp %add3A_201 : vector<16xf32>
        %get3A_202 = arith.index_cast %scan3A_142 : i32 to index
        %get3A_203 = arith.constant 0 : index
        %get3A_204 = tpu.vector_load %arg16[%get3A_202, %get3A_203] {strides = array<i32>} : memref<80x64xf32, #tpu.memory_space<vmem>>, vector<1x16xf32>,
        %get3A_205 = vector.shape_cast %get3A_204 : vector<1x16xf32> to vector<16xf32>
        %mul3A_206 = arith.mulf %exp3A, %get3A_205 : vector<16xf32>
        %swap3A = arith.index_cast %scan3A_142 : i32 to index
        %swap3A_207 = arith.constant 0 : index
        %swap3A_208 = tpu.vector_load %arg17[%swap3A, %swap3A_207] {strides = array<i32>} : memref<80x64xf32, #tpu.memory_space<vmem>>, vector<1x16xf32>,
        %swap3A_209 = vector.shape_cast %swap3A_208 : vector<1x16xf32> to vector<16xf32>
        %swap3A_210 = vector.shape_cast %mul3A_206 : vector<16xf32> to vector<1x16xf32>
        tpu.vector_store %arg17[%swap3A, %swap3A_207], %swap3A_210 {strides = array<i32>} : memref<80x64xf32, #tpu.memory_space<vmem>>, vector<1x16xf32>,
        %get3A_211 = arith.index_cast %scan3A_142 : i32 to index
        %get3A_212 = arith.constant 16 : index
        %get3A_213 = tpu.vector_load %arg16[%get3A_211, %get3A_212] {strides = array<i32>} : memref<80x64xf32, #tpu.memory_space<vmem>>, vector<1x16xf32>,
        %get3A_214 = vector.shape_cast %get3A_213 : vector<1x16xf32> to vector<16xf32>
        %mul3A_215 = arith.mulf %exp3A, %get3A_214 : vector<16xf32>
        %swap3A_216 = arith.index_cast %scan3A_142 : i32 to index
        %swap3A_217 = arith.constant 16 : index
        %swap3A_218 = tpu.vector_load %arg17[%swap3A_216, %swap3A_217] {strides = array<i32>} : memref<80x64xf32, #tpu.memory_space<vmem>>, vector<1x16xf32>,
        %swap3A_219 = vector.shape_cast %swap3A_218 : vector<1x16xf32> to vector<16xf32>
        %swap3A_220 = vector.shape_cast %mul3A_215 : vector<16xf32> to vector<1x16xf32>
        tpu.vector_store %arg17[%swap3A_216, %swap3A_217], %swap3A_220 {strides = array<i32>} : memref<80x64xf32, #tpu.memory_space<vmem>>, vector<1x16xf32>,
        %get3A_221 = arith.index_cast %scan3A_142 : i32 to index
        %get3A_222 = arith.constant 32 : index
        %get3A_223 = tpu.vector_load %arg14[%get3A_221, %get3A_222] {strides = array<i32>} : memref<80x64xf32, #tpu.memory_space<vmem>>, vector<1x16xf32>,
        %get3A_224 = vector.shape_cast %get3A_223 : vector<1x16xf32> to vector<16xf32>
        %get3A_225 = arith.index_cast %scan3A_142 : i32 to index
        %get3A_226 = arith.constant 32 : index
        %get3A_227 = tpu.vector_load %arg15[%get3A_225, %get3A_226] {strides = array<i32>} : memref<80x64xf32, #tpu.memory_space<vmem>>, vector<1x16xf32>,
        %get3A_228 = vector.shape_cast %get3A_227 : vector<1x16xf32> to vector<16xf32>
        %mul3A_229 = arith.mulf %get3A_224, %get3A_228 : vector<16xf32>
        %get3A_230 = arith.index_cast %scan3A_142 : i32 to index
        %get3A_231 = arith.constant 48 : index
        %get3A_232 = tpu.vector_load %arg14[%get3A_230, %get3A_231] {strides = array<i32>} : memref<80x64xf32, #tpu.memory_space<vmem>>, vector<1x16xf32>,
        %get3A_233 = vector.shape_cast %get3A_232 : vector<1x16xf32> to vector<16xf32>
        %get3A_234 = arith.index_cast %scan3A_142 : i32 to index
        %get3A_235 = arith.constant 48 : index
        %get3A_236 = tpu.vector_load %arg15[%get3A_234, %get3A_235] {strides = array<i32>} : memref<80x64xf32, #tpu.memory_space<vmem>>, vector<1x16xf32>,
        %get3A_237 = vector.shape_cast %get3A_236 : vector<1x16xf32> to vector<16xf32>
        %mul3A_238 = arith.mulf %get3A_233, %get3A_237 : vector<16xf32>
        %add3A_239 = arith.addf %mul3A_229, %mul3A_238 : vector<16xf32>
        %lt3A_240 = arith.constant 0 : i32
        %lt3A_241 = vector.broadcast %lt3A_240 : i32 to vector<16xi32>
        %lt3A_242 = arith.cmpi slt, %and3A_6, %lt3A_241 : vector<16xi32>
        %add3A_243 = arith.constant 16 : i32
        %add3A_244 = vector.broadcast %add3A_243 : i32 to vector<16xi32>
        %add3A_245 = arith.addi %and3A_6, %add3A_244 : vector<16xi32>
        %select_n3A_246 = arith.select %lt3A_242, %add3A_245, %and3A_6 : vector<16xi1>, vector<16xi32>
        %broadcast_in_dim3A_247 = vector.shape_cast %select_n3A_246 : vector<16xi32> to vector<16x1xi32>
        %gather3A_248 = vector.shape_cast %broadcast_in_dim3A_247 : vector<16x1xi32> to vector<16xi32>
        %gather3A_249 = tpu.dynamic_gather %add3A_239[%gather3A_248] in [0] : vector<16xf32>, vector<16xi32> -> vector<16xf32>
        %add3A_250 = arith.addf %add3A_239, %gather3A_249 : vector<16xf32>
        %lt3A_251 = arith.constant 0 : i32
        %lt3A_252 = vector.broadcast %lt3A_251 : i32 to vector<16xi32>
        %lt3A_253 = arith.cmpi slt, %and3A_12, %lt3A_252 : vector<16xi32>
        %add3A_254 = arith.constant 16 : i32
        %add3A_255 = vector.broadcast %add3A_254 : i32 to vector<16xi32>
        %add3A_256 = arith.addi %and3A_12, %add3A_255 : vector<16xi32>
        %select_n3A_257 = arith.select %lt3A_253, %add3A_256, %and3A_12 : vector<16xi1>, vector<16xi32>
        %broadcast_in_dim3A_258 = vector.shape_cast %select_n3A_257 : vector<16xi32> to vector<16x1xi32>
        %gather3A_259 = vector.shape_cast %broadcast_in_dim3A_258 : vector<16x1xi32> to vector<16xi32>
        %gather3A_260 = tpu.dynamic_gather %add3A_250[%gather3A_259] in [0] : vector<16xf32>, vector<16xi32> -> vector<16xf32>
        %add3A_261 = arith.addf %add3A_250, %gather3A_260 : vector<16xf32>
        %lt3A_262 = arith.constant 0 : i32
        %lt3A_263 = vector.broadcast %lt3A_262 : i32 to vector<16xi32>
        %lt3A_264 = arith.cmpi slt, %and3A_18, %lt3A_263 : vector<16xi32>
        %add3A_265 = arith.constant 16 : i32
        %add3A_266 = vector.broadcast %add3A_265 : i32 to vector<16xi32>
        %add3A_267 = arith.addi %and3A_18, %add3A_266 : vector<16xi32>
        %select_n3A_268 = arith.select %lt3A_264, %add3A_267, %and3A_18 : vector<16xi1>, vector<16xi32>
        %broadcast_in_dim3A_269 = vector.shape_cast %select_n3A_268 : vector<16xi32> to vector<16x1xi32>
        %gather3A_270 = vector.shape_cast %broadcast_in_dim3A_269 : vector<16x1xi32> to vector<16xi32>
        %gather3A_271 = tpu.dynamic_gather %add3A_261[%gather3A_270] in [0] : vector<16xf32>, vector<16xi32> -> vector<16xf32>
        %add3A_272 = arith.addf %add3A_261, %gather3A_271 : vector<16xf32>
        %lt3A_273 = arith.constant 0 : i32
        %lt3A_274 = vector.broadcast %lt3A_273 : i32 to vector<16xi32>
        %lt3A_275 = arith.cmpi slt, %and3A_24, %lt3A_274 : vector<16xi32>
        %add3A_276 = arith.constant 16 : i32
        %add3A_277 = vector.broadcast %add3A_276 : i32 to vector<16xi32>
        %add3A_278 = arith.addi %and3A_24, %add3A_277 : vector<16xi32>
        %select_n3A_279 = arith.select %lt3A_275, %add3A_278, %and3A_24 : vector<16xi1>, vector<16xi32>
        %broadcast_in_dim3A_280 = vector.shape_cast %select_n3A_279 : vector<16xi32> to vector<16x1xi32>
        %gather3A_281 = vector.shape_cast %broadcast_in_dim3A_280 : vector<16x1xi32> to vector<16xi32>
        %gather3A_282 = tpu.dynamic_gather %add3A_272[%gather3A_281] in [0] : vector<16xf32>, vector<16xi32> -> vector<16xf32>
        %add3A_283 = arith.addf %add3A_272, %gather3A_282 : vector<16xf32>
        %exp3A_284 = math.exp %add3A_283 : vector<16xf32>
        %get3A_285 = arith.index_cast %scan3A_142 : i32 to index
        %get3A_286 = arith.constant 32 : index
        %get3A_287 = tpu.vector_load %arg16[%get3A_285, %get3A_286] {strides = array<i32>} : memref<80x64xf32, #tpu.memory_space<vmem>>, vector<1x16xf32>,
        %get3A_288 = vector.shape_cast %get3A_287 : vector<1x16xf32> to vector<16xf32>
        %mul3A_289 = arith.mulf %exp3A_284, %get3A_288 : vector<16xf32>
        %swap3A_290 = arith.index_cast %scan3A_142 : i32 to index
        %swap3A_291 = arith.constant 32 : index
        %swap3A_292 = tpu.vector_load %arg17[%swap3A_290, %swap3A_291] {strides = array<i32>} : memref<80x64xf32, #tpu.memory_space<vmem>>, vector<1x16xf32>,
        %swap3A_293 = vector.shape_cast %swap3A_292 : vector<1x16xf32> to vector<16xf32>
        %swap3A_294 = vector.shape_cast %mul3A_289 : vector<16xf32> to vector<1x16xf32>
        tpu.vector_store %arg17[%swap3A_290, %swap3A_291], %swap3A_294 {strides = array<i32>} : memref<80x64xf32, #tpu.memory_space<vmem>>, vector<1x16xf32>,
        %get3A_295 = arith.index_cast %scan3A_142 : i32 to index
        %get3A_296 = arith.constant 48 : index
        %get3A_297 = tpu.vector_load %arg16[%get3A_295, %get3A_296] {strides = array<i32>} : memref<80x64xf32, #tpu.memory_space<vmem>>, vector<1x16xf32>,
        %get3A_298 = vector.shape_cast %get3A_297 : vector<1x16xf32> to vector<16xf32>
        %mul3A_299 = arith.mulf %exp3A_284, %get3A_298 : vector<16xf32>
        %swap3A_300 = arith.index_cast %scan3A_142 : i32 to index
        %swap3A_301 = arith.constant 48 : index
        %swap3A_302 = tpu.vector_load %arg17[%swap3A_300, %swap3A_301] {strides = array<i32>} : memref<80x64xf32, #tpu.memory_space<vmem>>, vector<1x16xf32>,
        %swap3A_303 = vector.shape_cast %swap3A_302 : vector<1x16xf32> to vector<16xf32>
        %swap3A_304 = vector.shape_cast %mul3A_299 : vector<16xf32> to vector<1x16xf32>
        tpu.vector_store %arg17[%swap3A_300, %swap3A_301], %swap3A_304 {strides = array<i32>} : memref<80x64xf32, #tpu.memory_space<vmem>>, vector<1x16xf32>,
        %eq3A = arith.constant 0 : i32
        %eq3A_305 = vector.broadcast %eq3A : i32 to vector<16xi32>
        %eq3A_306 = arith.cmpi eq, %iota3A, %eq3A_305 : vector<16xi32>
        %eq3A_307 = arith.constant 1 : i32
        %eq3A_308 = vector.broadcast %eq3A_307 : i32 to vector<16xi32>
        %eq3A_309 = arith.cmpi eq, %iota3A, %eq3A_308 : vector<16xi32>
        %jit3A = arith.constant 0.000000e+00 : f32
        %broadcast_in_dim3A_310 = vector.broadcast %jit3A : f32 to vector<16xf32>
        %select_n3A_311 = arith.select %eq3A_309, %exp3A_284, %broadcast_in_dim3A_310 : vector<16xi1>, vector<16xf32>
        %select_n3A_312 = arith.select %eq3A_306, %exp3A, %select_n3A_311 : vector<16xi1>, vector<16xf32>
        %swap3A_313 = arith.index_cast %scan3A_142 : i32 to index
        %swap3A_314 = arith.constant 0 : index
        %swap3A_315 = tpu.vector_load %arg18[%swap3A_313, %swap3A_314] {strides = array<i32>} : memref<80x16xf32, #tpu.memory_space<vmem>>, vector<1x16xf32>,
        %swap3A_316 = vector.shape_cast %swap3A_315 : vector<1x16xf32> to vector<16xf32>
        %swap3A_317 = vector.shape_cast %select_n3A_312 : vector<16xf32> to vector<1x16xf32>
        tpu.vector_store %arg18[%swap3A_313, %swap3A_314], %swap3A_317 {strides = array<i32>} : memref<80x16xf32, #tpu.memory_space<vmem>>, vector<1x16xf32>,
      }
      %scan3A_141 = arith.constant 80 : i32
      "tpu.region"() ({
        %run_scoped3A = tpu.sem_alloc : memref<!tpu.dma_semaphore, #tpu.memory_space<semaphore_mem>>
        %dma_start3A_142 = arith.constant 0 : i32
        %dma_start3A_143 = arith.constant 0 : i32
        %dma_start3A_144 = tpu.memref_slice %arg19[%dma_start3A_142, %dma_start3A_143] : memref<10240x64xf32, #tpu.memory_space<vmem_shared>> -> memref<10240x64xf32, #tpu.memory_space<vmem_shared>>
        tpu.enqueue_indirect_dma source(%arg17 : memref<80x64xf32, #tpu.memory_space<vmem>>) target(%dma_start3A_144 : memref<10240x64xf32, #tpu.memory_space<vmem_shared>>) offsets(%arg13 : memref<80xi32, #tpu.memory_space<vmem>>) semaphore(%run_scoped3A : memref<!tpu.dma_semaphore, #tpu.memory_space<semaphore_mem>>) {add = true}
        %dma_wait3A_145 = arith.constant 0 : i32
        %dma_wait3A_146 = arith.constant 0 : i32
        %dma_wait3A_147 = tpu.memref_slice %arg19[%dma_wait3A_145, %dma_wait3A_146] : memref<10240x64xf32, #tpu.memory_space<vmem_shared>> -> memref<10240x64xf32, #tpu.memory_space<vmem_shared>>
        tpu.wait_indirect_dma semaphore(%run_scoped3A : memref<!tpu.dma_semaphore, #tpu.memory_space<semaphore_mem>>) src(%arg17 : memref<80x64xf32, #tpu.memory_space<vmem>>) dst(%dma_wait3A_147 : memref<10240x64xf32, #tpu.memory_space<vmem_shared>>)
        tpu.yield
      }) : () -> ()
      "tpu.region"() ({
        %run_scoped3A = tpu.sem_alloc : memref<!tpu.dma_semaphore, #tpu.memory_space<semaphore_mem>>
        %dma_start3A_142 = arith.constant 0 : i32
        %dma_start3A_143 = arith.constant 0 : i32
        %dma_start3A_144 = tpu.memref_slice %arg20[%dma_start3A_142, %dma_start3A_143] : memref<10240x16xf32, #tpu.memory_space<vmem_shared>> -> memref<10240x16xf32, #tpu.memory_space<vmem_shared>>
        tpu.enqueue_indirect_dma source(%arg18 : memref<80x16xf32, #tpu.memory_space<vmem>>) target(%dma_start3A_144 : memref<10240x16xf32, #tpu.memory_space<vmem_shared>>) offsets(%arg13 : memref<80xi32, #tpu.memory_space<vmem>>) semaphore(%run_scoped3A : memref<!tpu.dma_semaphore, #tpu.memory_space<semaphore_mem>>) {add = true}
        %dma_wait3A_145 = arith.constant 0 : i32
        %dma_wait3A_146 = arith.constant 0 : i32
        %dma_wait3A_147 = tpu.memref_slice %arg20[%dma_wait3A_145, %dma_wait3A_146] : memref<10240x16xf32, #tpu.memory_space<vmem_shared>> -> memref<10240x16xf32, #tpu.memory_space<vmem_shared>>
        tpu.wait_indirect_dma semaphore(%run_scoped3A : memref<!tpu.dma_semaphore, #tpu.memory_space<semaphore_mem>>) src(%arg18 : memref<80x16xf32, #tpu.memory_space<vmem>>) dst(%dma_wait3A_147 : memref<10240x16xf32, #tpu.memory_space<vmem_shared>>)
        tpu.yield
      }) : () -> ()
    }
    %scan3A_69 = arith.constant 125 : i32
    %barrier3A_70 = arith.constant 0 : index
    tpu.barrier barrier_id(%barrier3A_70)
    %add3A_71 = arith.constant 0 : i32
    %add3A_72 = arith.addi %add3A_71, %arg0 : i32
    %mul3A_73 = arith.constant 10240 : i32
    %mul3A_74 = arith.muli %add3A_72, %mul3A_73 : i32
    %add3A_75 = arith.addi %mul3A_74, %mul3A_26 : i32
    "tpu.region"() ({
      %run_scoped3A = tpu.sem_alloc : memref<!tpu.dma_semaphore, #tpu.memory_space<semaphore_mem>>
      %dma_start3A = arith.constant 0 : i32
      %dma_start3A_114 = tpu.memref_slice %arg10[%add3A_75, %dma_start3A] : memref<40960x64xf32, #tpu.memory_space<hbm>> -> memref<640x64xf32, #tpu.memory_space<hbm>>
      %dma_start3A_115 = arith.constant 0 : i32
      %dma_start3A_116 = tpu.memref_slice %arg19[%mul3A_26, %dma_start3A_115] : memref<10240x64xf32, #tpu.memory_space<vmem_shared>> -> memref<640x64xf32, #tpu.memory_space<vmem_shared>>
      tpu.enqueue_dma source(%dma_start3A_116 : memref<640x64xf32, #tpu.memory_space<vmem_shared>>) target(%dma_start3A_114 : memref<640x64xf32, #tpu.memory_space<hbm>>) target_semaphore(%run_scoped3A : memref<!tpu.dma_semaphore, #tpu.memory_space<semaphore_mem>>)
      %dma_wait3A = arith.constant 0 : i32
      %dma_wait3A_117 = tpu.memref_slice %arg10[%add3A_75, %dma_wait3A] : memref<40960x64xf32, #tpu.memory_space<hbm>> -> memref<640x64xf32, #tpu.memory_space<hbm>>
      %dma_wait3A_118 = arith.constant 0 : i32
      %dma_wait3A_119 = tpu.memref_slice %arg19[%mul3A_26, %dma_wait3A_118] : memref<10240x64xf32, #tpu.memory_space<vmem_shared>> -> memref<640x64xf32, #tpu.memory_space<vmem_shared>>
      tpu.wait_dma2 semaphore(%run_scoped3A : memref<!tpu.dma_semaphore, #tpu.memory_space<semaphore_mem>>) src(%dma_wait3A_119 : memref<640x64xf32, #tpu.memory_space<vmem_shared>>) dst(%dma_wait3A_117 : memref<640x64xf32, #tpu.memory_space<hbm>>)
      tpu.yield
    }) : () -> ()
    %scan3A_76 = arith.constant 0 : i32
    %scan3A_77 = arith.constant 0 : i32
    %scan3A_78 = arith.constant 80 : i32
    %scan3A_79 = arith.addi %scan3A_77, %scan3A_78 : i32
    %scan3A_80 = arith.constant 1 : i32
    scf.for %scan3A_114 = %scan3A_77 to %scan3A_79 step %scan3A_80  : i32 {
      %swap3A = arith.index_cast %scan3A_114 : i32 to index
      %swap3A_115 = arith.constant 0 : index
      %swap3A_116 = tpu.vector_load %arg17[%swap3A, %swap3A_115] {strides = array<i32>} : memref<80x64xf32, #tpu.memory_space<vmem>>, vector<1x16xf32>,
      %swap3A_117 = vector.shape_cast %swap3A_116 : vector<1x16xf32> to vector<16xf32>
      %swap3A_118 = vector.shape_cast %broadcast_in_dim3A_1 : vector<16xf32> to vector<1x16xf32>
      tpu.vector_store %arg17[%swap3A, %swap3A_115], %swap3A_118 {strides = array<i32>} : memref<80x64xf32, #tpu.memory_space<vmem>>, vector<1x16xf32>,
      %swap3A_119 = arith.index_cast %scan3A_114 : i32 to index
      %swap3A_120 = arith.constant 16 : index
      %swap3A_121 = tpu.vector_load %arg17[%swap3A_119, %swap3A_120] {strides = array<i32>} : memref<80x64xf32, #tpu.memory_space<vmem>>, vector<1x16xf32>,
      %swap3A_122 = vector.shape_cast %swap3A_121 : vector<1x16xf32> to vector<16xf32>
      %swap3A_123 = vector.shape_cast %broadcast_in_dim3A_1 : vector<16xf32> to vector<1x16xf32>
      tpu.vector_store %arg17[%swap3A_119, %swap3A_120], %swap3A_123 {strides = array<i32>} : memref<80x64xf32, #tpu.memory_space<vmem>>, vector<1x16xf32>,
      %swap3A_124 = arith.index_cast %scan3A_114 : i32 to index
      %swap3A_125 = arith.constant 32 : index
      %swap3A_126 = tpu.vector_load %arg17[%swap3A_124, %swap3A_125] {strides = array<i32>} : memref<80x64xf32, #tpu.memory_space<vmem>>, vector<1x16xf32>,
      %swap3A_127 = vector.shape_cast %swap3A_126 : vector<1x16xf32> to vector<16xf32>
      %swap3A_128 = vector.shape_cast %broadcast_in_dim3A_1 : vector<16xf32> to vector<1x16xf32>
      tpu.vector_store %arg17[%swap3A_124, %swap3A_125], %swap3A_128 {strides = array<i32>} : memref<80x64xf32, #tpu.memory_space<vmem>>, vector<1x16xf32>,
      %swap3A_129 = arith.index_cast %scan3A_114 : i32 to index
      %swap3A_130 = arith.constant 48 : index
      %swap3A_131 = tpu.vector_load %arg17[%swap3A_129, %swap3A_130] {strides = array<i32>} : memref<80x64xf32, #tpu.memory_space<vmem>>, vector<1x16xf32>,
      %swap3A_132 = vector.shape_cast %swap3A_131 : vector<1x16xf32> to vector<16xf32>
      %swap3A_133 = vector.shape_cast %broadcast_in_dim3A_1 : vector<16xf32> to vector<1x16xf32>
      tpu.vector_store %arg17[%swap3A_129, %swap3A_130], %swap3A_133 {strides = array<i32>} : memref<80x64xf32, #tpu.memory_space<vmem>>, vector<1x16xf32>,
    }
    %scan3A_81 = arith.constant 80 : i32
    %add3A_82 = arith.constant 0 : i32
    %add3A_83 = arith.addi %mul3A_26, %add3A_82 : i32
    "tpu.region"() ({
      %run_scoped3A = tpu.sem_alloc : memref<!tpu.dma_semaphore, #tpu.memory_space<semaphore_mem>>
      %dma_start3A = arith.constant 0 : i32
      %dma_start3A_114 = tpu.memref_slice %arg19[%add3A_83, %dma_start3A] : memref<10240x64xf32, #tpu.memory_space<vmem_shared>> -> memref<80x64xf32, #tpu.memory_space<vmem_shared>>
      %dma_start3A_115 = arith.constant 0 : i32
      %dma_start3A_116 = tpu.memref_slice %arg19[%add3A_83, %dma_start3A_115] : memref<10240x64xf32, #tpu.memory_space<vmem_shared>> -> memref<80x64xf32, #tpu.memory_space<vmem_shared>>
      tpu.enqueue_dma source(%arg17 : memref<80x64xf32, #tpu.memory_space<vmem>>) target(%dma_start3A_116 : memref<80x64xf32, #tpu.memory_space<vmem_shared>>) target_semaphore(%run_scoped3A : memref<!tpu.dma_semaphore, #tpu.memory_space<semaphore_mem>>)
      %dma_wait3A = arith.constant 0 : i32
      %dma_wait3A_117 = tpu.memref_slice %arg19[%add3A_83, %dma_wait3A] : memref<10240x64xf32, #tpu.memory_space<vmem_shared>> -> memref<80x64xf32, #tpu.memory_space<vmem_shared>>
      %dma_wait3A_118 = arith.constant 0 : i32
      %dma_wait3A_119 = tpu.memref_slice %arg19[%add3A_83, %dma_wait3A_118] : memref<10240x64xf32, #tpu.memory_space<vmem_shared>> -> memref<80x64xf32, #tpu.memory_space<vmem_shared>>
      tpu.wait_dma2 semaphore(%run_scoped3A : memref<!tpu.dma_semaphore, #tpu.memory_space<semaphore_mem>>) src(%arg17 : memref<80x64xf32, #tpu.memory_space<vmem>>) dst(%dma_wait3A_119 : memref<80x64xf32, #tpu.memory_space<vmem_shared>>)
      tpu.yield
    }) : () -> ()
    %add3A_84 = arith.constant 80 : i32
    %add3A_85 = arith.addi %mul3A_26, %add3A_84 : i32
    "tpu.region"() ({
      %run_scoped3A = tpu.sem_alloc : memref<!tpu.dma_semaphore, #tpu.memory_space<semaphore_mem>>
      %dma_start3A = arith.constant 0 : i32
      %dma_start3A_114 = tpu.memref_slice %arg19[%add3A_85, %dma_start3A] : memref<10240x64xf32, #tpu.memory_space<vmem_shared>> -> memref<80x64xf32, #tpu.memory_space<vmem_shared>>
      %dma_start3A_115 = arith.constant 0 : i32
      %dma_start3A_116 = tpu.memref_slice %arg19[%add3A_85, %dma_start3A_115] : memref<10240x64xf32, #tpu.memory_space<vmem_shared>> -> memref<80x64xf32, #tpu.memory_space<vmem_shared>>
      tpu.enqueue_dma source(%arg17 : memref<80x64xf32, #tpu.memory_space<vmem>>) target(%dma_start3A_116 : memref<80x64xf32, #tpu.memory_space<vmem_shared>>) target_semaphore(%run_scoped3A : memref<!tpu.dma_semaphore, #tpu.memory_space<semaphore_mem>>)
      %dma_wait3A = arith.constant 0 : i32
      %dma_wait3A_117 = tpu.memref_slice %arg19[%add3A_85, %dma_wait3A] : memref<10240x64xf32, #tpu.memory_space<vmem_shared>> -> memref<80x64xf32, #tpu.memory_space<vmem_shared>>
      %dma_wait3A_118 = arith.constant 0 : i32
      %dma_wait3A_119 = tpu.memref_slice %arg19[%add3A_85, %dma_wait3A_118] : memref<10240x64xf32, #tpu.memory_space<vmem_shared>> -> memref<80x64xf32, #tpu.memory_space<vmem_shared>>
      tpu.wait_dma2 semaphore(%run_scoped3A : memref<!tpu.dma_semaphore, #tpu.memory_space<semaphore_mem>>) src(%arg17 : memref<80x64xf32, #tpu.memory_space<vmem>>) dst(%dma_wait3A_119 : memref<80x64xf32, #tpu.memory_space<vmem_shared>>)
      tpu.yield
    }) : () -> ()
    %add3A_86 = arith.constant 160 : i32
    %add3A_87 = arith.addi %mul3A_26, %add3A_86 : i32
    "tpu.region"() ({
      %run_scoped3A = tpu.sem_alloc : memref<!tpu.dma_semaphore, #tpu.memory_space<semaphore_mem>>
      %dma_start3A = arith.constant 0 : i32
      %dma_start3A_114 = tpu.memref_slice %arg19[%add3A_87, %dma_start3A] : memref<10240x64xf32, #tpu.memory_space<vmem_shared>> -> memref<80x64xf32, #tpu.memory_space<vmem_shared>>
      %dma_start3A_115 = arith.constant 0 : i32
      %dma_start3A_116 = tpu.memref_slice %arg19[%add3A_87, %dma_start3A_115] : memref<10240x64xf32, #tpu.memory_space<vmem_shared>> -> memref<80x64xf32, #tpu.memory_space<vmem_shared>>
      tpu.enqueue_dma source(%arg17 : memref<80x64xf32, #tpu.memory_space<vmem>>) target(%dma_start3A_116 : memref<80x64xf32, #tpu.memory_space<vmem_shared>>) target_semaphore(%run_scoped3A : memref<!tpu.dma_semaphore, #tpu.memory_space<semaphore_mem>>)
      %dma_wait3A = arith.constant 0 : i32
      %dma_wait3A_117 = tpu.memref_slice %arg19[%add3A_87, %dma_wait3A] : memref<10240x64xf32, #tpu.memory_space<vmem_shared>> -> memref<80x64xf32, #tpu.memory_space<vmem_shared>>
      %dma_wait3A_118 = arith.constant 0 : i32
      %dma_wait3A_119 = tpu.memref_slice %arg19[%add3A_87, %dma_wait3A_118] : memref<10240x64xf32, #tpu.memory_space<vmem_shared>> -> memref<80x64xf32, #tpu.memory_space<vmem_shared>>
      tpu.wait_dma2 semaphore(%run_scoped3A : memref<!tpu.dma_semaphore, #tpu.memory_space<semaphore_mem>>) src(%arg17 : memref<80x64xf32, #tpu.memory_space<vmem>>) dst(%dma_wait3A_119 : memref<80x64xf32, #tpu.memory_space<vmem_shared>>)
      tpu.yield
    }) : () -> ()
    %add3A_88 = arith.constant 240 : i32
    %add3A_89 = arith.addi %mul3A_26, %add3A_88 : i32
    "tpu.region"() ({
      %run_scoped3A = tpu.sem_alloc : memref<!tpu.dma_semaphore, #tpu.memory_space<semaphore_mem>>
      %dma_start3A = arith.constant 0 : i32
      %dma_start3A_114 = tpu.memref_slice %arg19[%add3A_89, %dma_start3A] : memref<10240x64xf32, #tpu.memory_space<vmem_shared>> -> memref<80x64xf32, #tpu.memory_space<vmem_shared>>
      %dma_start3A_115 = arith.constant 0 : i32
      %dma_start3A_116 = tpu.memref_slice %arg19[%add3A_89, %dma_start3A_115] : memref<10240x64xf32, #tpu.memory_space<vmem_shared>> -> memref<80x64xf32, #tpu.memory_space<vmem_shared>>
      tpu.enqueue_dma source(%arg17 : memref<80x64xf32, #tpu.memory_space<vmem>>) target(%dma_start3A_116 : memref<80x64xf32, #tpu.memory_space<vmem_shared>>) target_semaphore(%run_scoped3A : memref<!tpu.dma_semaphore, #tpu.memory_space<semaphore_mem>>)
      %dma_wait3A = arith.constant 0 : i32
      %dma_wait3A_117 = tpu.memref_slice %arg19[%add3A_89, %dma_wait3A] : memref<10240x64xf32, #tpu.memory_space<vmem_shared>> -> memref<80x64xf32, #tpu.memory_space<vmem_shared>>
      %dma_wait3A_118 = arith.constant 0 : i32
      %dma_wait3A_119 = tpu.memref_slice %arg19[%add3A_89, %dma_wait3A_118] : memref<10240x64xf32, #tpu.memory_space<vmem_shared>> -> memref<80x64xf32, #tpu.memory_space<vmem_shared>>
      tpu.wait_dma2 semaphore(%run_scoped3A : memref<!tpu.dma_semaphore, #tpu.memory_space<semaphore_mem>>) src(%arg17 : memref<80x64xf32, #tpu.memory_space<vmem>>) dst(%dma_wait3A_119 : memref<80x64xf32, #tpu.memory_space<vmem_shared>>)
      tpu.yield
    }) : () -> ()
    %add3A_90 = arith.constant 320 : i32
    %add3A_91 = arith.addi %mul3A_26, %add3A_90 : i32
    "tpu.region"() ({
      %run_scoped3A = tpu.sem_alloc : memref<!tpu.dma_semaphore, #tpu.memory_space<semaphore_mem>>
      %dma_start3A = arith.constant 0 : i32
      %dma_start3A_114 = tpu.memref_slice %arg19[%add3A_91, %dma_start3A] : memref<10240x64xf32, #tpu.memory_space<vmem_shared>> -> memref<80x64xf32, #tpu.memory_space<vmem_shared>>
      %dma_start3A_115 = arith.constant 0 : i32
      %dma_start3A_116 = tpu.memref_slice %arg19[%add3A_91, %dma_start3A_115] : memref<10240x64xf32, #tpu.memory_space<vmem_shared>> -> memref<80x64xf32, #tpu.memory_space<vmem_shared>>
      tpu.enqueue_dma source(%arg17 : memref<80x64xf32, #tpu.memory_space<vmem>>) target(%dma_start3A_116 : memref<80x64xf32, #tpu.memory_space<vmem_shared>>) target_semaphore(%run_scoped3A : memref<!tpu.dma_semaphore, #tpu.memory_space<semaphore_mem>>)
      %dma_wait3A = arith.constant 0 : i32
      %dma_wait3A_117 = tpu.memref_slice %arg19[%add3A_91, %dma_wait3A] : memref<10240x64xf32, #tpu.memory_space<vmem_shared>> -> memref<80x64xf32, #tpu.memory_space<vmem_shared>>
      %dma_wait3A_118 = arith.constant 0 : i32
      %dma_wait3A_119 = tpu.memref_slice %arg19[%add3A_91, %dma_wait3A_118] : memref<10240x64xf32, #tpu.memory_space<vmem_shared>> -> memref<80x64xf32, #tpu.memory_space<vmem_shared>>
      tpu.wait_dma2 semaphore(%run_scoped3A : memref<!tpu.dma_semaphore, #tpu.memory_space<semaphore_mem>>) src(%arg17 : memref<80x64xf32, #tpu.memory_space<vmem>>) dst(%dma_wait3A_119 : memref<80x64xf32, #tpu.memory_space<vmem_shared>>)
      tpu.yield
    }) : () -> ()
    %add3A_92 = arith.constant 400 : i32
    %add3A_93 = arith.addi %mul3A_26, %add3A_92 : i32
    "tpu.region"() ({
      %run_scoped3A = tpu.sem_alloc : memref<!tpu.dma_semaphore, #tpu.memory_space<semaphore_mem>>
      %dma_start3A = arith.constant 0 : i32
      %dma_start3A_114 = tpu.memref_slice %arg19[%add3A_93, %dma_start3A] : memref<10240x64xf32, #tpu.memory_space<vmem_shared>> -> memref<80x64xf32, #tpu.memory_space<vmem_shared>>
      %dma_start3A_115 = arith.constant 0 : i32
      %dma_start3A_116 = tpu.memref_slice %arg19[%add3A_93, %dma_start3A_115] : memref<10240x64xf32, #tpu.memory_space<vmem_shared>> -> memref<80x64xf32, #tpu.memory_space<vmem_shared>>
      tpu.enqueue_dma source(%arg17 : memref<80x64xf32, #tpu.memory_space<vmem>>) target(%dma_start3A_116 : memref<80x64xf32, #tpu.memory_space<vmem_shared>>) target_semaphore(%run_scoped3A : memref<!tpu.dma_semaphore, #tpu.memory_space<semaphore_mem>>)
      %dma_wait3A = arith.constant 0 : i32
      %dma_wait3A_117 = tpu.memref_slice %arg19[%add3A_93, %dma_wait3A] : memref<10240x64xf32, #tpu.memory_space<vmem_shared>> -> memref<80x64xf32, #tpu.memory_space<vmem_shared>>
      %dma_wait3A_118 = arith.constant 0 : i32
      %dma_wait3A_119 = tpu.memref_slice %arg19[%add3A_93, %dma_wait3A_118] : memref<10240x64xf32, #tpu.memory_space<vmem_shared>> -> memref<80x64xf32, #tpu.memory_space<vmem_shared>>
      tpu.wait_dma2 semaphore(%run_scoped3A : memref<!tpu.dma_semaphore, #tpu.memory_space<semaphore_mem>>) src(%arg17 : memref<80x64xf32, #tpu.memory_space<vmem>>) dst(%dma_wait3A_119 : memref<80x64xf32, #tpu.memory_space<vmem_shared>>)
      tpu.yield
    }) : () -> ()
    %add3A_94 = arith.constant 480 : i32
    %add3A_95 = arith.addi %mul3A_26, %add3A_94 : i32
    "tpu.region"() ({
      %run_scoped3A = tpu.sem_alloc : memref<!tpu.dma_semaphore, #tpu.memory_space<semaphore_mem>>
      %dma_start3A = arith.constant 0 : i32
      %dma_start3A_114 = tpu.memref_slice %arg19[%add3A_95, %dma_start3A] : memref<10240x64xf32, #tpu.memory_space<vmem_shared>> -> memref<80x64xf32, #tpu.memory_space<vmem_shared>>
      %dma_start3A_115 = arith.constant 0 : i32
      %dma_start3A_116 = tpu.memref_slice %arg19[%add3A_95, %dma_start3A_115] : memref<10240x64xf32, #tpu.memory_space<vmem_shared>> -> memref<80x64xf32, #tpu.memory_space<vmem_shared>>
      tpu.enqueue_dma source(%arg17 : memref<80x64xf32, #tpu.memory_space<vmem>>) target(%dma_start3A_116 : memref<80x64xf32, #tpu.memory_space<vmem_shared>>) target_semaphore(%run_scoped3A : memref<!tpu.dma_semaphore, #tpu.memory_space<semaphore_mem>>)
      %dma_wait3A = arith.constant 0 : i32
      %dma_wait3A_117 = tpu.memref_slice %arg19[%add3A_95, %dma_wait3A] : memref<10240x64xf32, #tpu.memory_space<vmem_shared>> -> memref<80x64xf32, #tpu.memory_space<vmem_shared>>
      %dma_wait3A_118 = arith.constant 0 : i32
      %dma_wait3A_119 = tpu.memref_slice %arg19[%add3A_95, %dma_wait3A_118] : memref<10240x64xf32, #tpu.memory_space<vmem_shared>> -> memref<80x64xf32, #tpu.memory_space<vmem_shared>>
      tpu.wait_dma2 semaphore(%run_scoped3A : memref<!tpu.dma_semaphore, #tpu.memory_space<semaphore_mem>>) src(%arg17 : memref<80x64xf32, #tpu.memory_space<vmem>>) dst(%dma_wait3A_119 : memref<80x64xf32, #tpu.memory_space<vmem_shared>>)
      tpu.yield
    }) : () -> ()
    %add3A_96 = arith.constant 560 : i32
    %add3A_97 = arith.addi %mul3A_26, %add3A_96 : i32
    "tpu.region"() ({
      %run_scoped3A = tpu.sem_alloc : memref<!tpu.dma_semaphore, #tpu.memory_space<semaphore_mem>>
      %dma_start3A = arith.constant 0 : i32
      %dma_start3A_114 = tpu.memref_slice %arg19[%add3A_97, %dma_start3A] : memref<10240x64xf32, #tpu.memory_space<vmem_shared>> -> memref<80x64xf32, #tpu.memory_space<vmem_shared>>
      %dma_start3A_115 = arith.constant 0 : i32
      %dma_start3A_116 = tpu.memref_slice %arg19[%add3A_97, %dma_start3A_115] : memref<10240x64xf32, #tpu.memory_space<vmem_shared>> -> memref<80x64xf32, #tpu.memory_space<vmem_shared>>
      tpu.enqueue_dma source(%arg17 : memref<80x64xf32, #tpu.memory_space<vmem>>) target(%dma_start3A_116 : memref<80x64xf32, #tpu.memory_space<vmem_shared>>) target_semaphore(%run_scoped3A : memref<!tpu.dma_semaphore, #tpu.memory_space<semaphore_mem>>)
      %dma_wait3A = arith.constant 0 : i32
      %dma_wait3A_117 = tpu.memref_slice %arg19[%add3A_97, %dma_wait3A] : memref<10240x64xf32, #tpu.memory_space<vmem_shared>> -> memref<80x64xf32, #tpu.memory_space<vmem_shared>>
      %dma_wait3A_118 = arith.constant 0 : i32
      %dma_wait3A_119 = tpu.memref_slice %arg19[%add3A_97, %dma_wait3A_118] : memref<10240x64xf32, #tpu.memory_space<vmem_shared>> -> memref<80x64xf32, #tpu.memory_space<vmem_shared>>
      tpu.wait_dma2 semaphore(%run_scoped3A : memref<!tpu.dma_semaphore, #tpu.memory_space<semaphore_mem>>) src(%arg17 : memref<80x64xf32, #tpu.memory_space<vmem>>) dst(%dma_wait3A_119 : memref<80x64xf32, #tpu.memory_space<vmem_shared>>)
      tpu.yield
    }) : () -> ()
    %barrier3A_98 = arith.constant 0 : index
    tpu.barrier barrier_id(%barrier3A_98)
    %scan3A_99 = arith.constant 0 : i32
    %scan3A_100 = arith.constant 0 : i32
    %scan3A_101 = arith.constant 125 : i32
    %scan3A_102 = arith.addi %scan3A_100, %scan3A_101 : i32
    %scan3A_103 = arith.constant 1 : i32
    scf.for %scan3A_114 = %scan3A_100 to %scan3A_102 step %scan3A_103  : i32 {
      %mul3A_115 = arith.constant 10000 : i32
      %mul3A_116 = arith.muli %add3A, %mul3A_115 : i32
      %mul3A_117 = arith.constant 80 : i32
      %mul3A_118 = arith.muli %scan3A_114, %mul3A_117 : i32
      %add3A_119 = arith.addi %mul3A_116, %mul3A_118 : i32
      "tpu.region"() ({
        %run_scoped3A = tpu.sem_alloc : memref<!tpu.dma_semaphore, #tpu.memory_space<semaphore_mem>>
        %dma_start3A_142 = tpu.memref_slice %arg8[%add3A_119] : memref<320000xi32, #tpu.memory_space<hbm>> -> memref<80xi32, #tpu.memory_space<hbm>>
        %dma_start3A_143 = tpu.memref_slice %arg8[%add3A_119] : memref<320000xi32, #tpu.memory_space<hbm>> -> memref<80xi32, #tpu.memory_space<hbm>>
        tpu.enqueue_dma source(%dma_start3A_143 : memref<80xi32, #tpu.memory_space<hbm>>) target(%arg12 : memref<80xi32, #tpu.memory_space<vmem>>) target_semaphore(%run_scoped3A : memref<!tpu.dma_semaphore, #tpu.memory_space<semaphore_mem>>)
        %dma_wait3A_144 = tpu.memref_slice %arg8[%add3A_119] : memref<320000xi32, #tpu.memory_space<hbm>> -> memref<80xi32, #tpu.memory_space<hbm>>
        %dma_wait3A_145 = tpu.memref_slice %arg8[%add3A_119] : memref<320000xi32, #tpu.memory_space<hbm>> -> memref<80xi32, #tpu.memory_space<hbm>>
        tpu.wait_dma2 semaphore(%run_scoped3A : memref<!tpu.dma_semaphore, #tpu.memory_space<semaphore_mem>>) src(%dma_wait3A_145 : memref<80xi32, #tpu.memory_space<hbm>>) dst(%arg12 : memref<80xi32, #tpu.memory_space<vmem>>)
        tpu.yield
      }) : () -> ()
      "tpu.region"() ({
        %run_scoped3A = tpu.sem_alloc : memref<!tpu.dma_semaphore, #tpu.memory_space<semaphore_mem>>
        %dma_start3A_142 = tpu.memref_slice %arg9[%add3A_119] : memref<320000xi32, #tpu.memory_space<hbm>> -> memref<80xi32, #tpu.memory_space<hbm>>
        %dma_start3A_143 = tpu.memref_slice %arg9[%add3A_119] : memref<320000xi32, #tpu.memory_space<hbm>> -> memref<80xi32, #tpu.memory_space<hbm>>
        tpu.enqueue_dma source(%dma_start3A_143 : memref<80xi32, #tpu.memory_space<hbm>>) target(%arg13 : memref<80xi32, #tpu.memory_space<vmem>>) target_semaphore(%run_scoped3A : memref<!tpu.dma_semaphore, #tpu.memory_space<semaphore_mem>>)
        %dma_wait3A_144 = tpu.memref_slice %arg9[%add3A_119] : memref<320000xi32, #tpu.memory_space<hbm>> -> memref<80xi32, #tpu.memory_space<hbm>>
        %dma_wait3A_145 = tpu.memref_slice %arg9[%add3A_119] : memref<320000xi32, #tpu.memory_space<hbm>> -> memref<80xi32, #tpu.memory_space<hbm>>
        tpu.wait_dma2 semaphore(%run_scoped3A : memref<!tpu.dma_semaphore, #tpu.memory_space<semaphore_mem>>) src(%dma_wait3A_145 : memref<80xi32, #tpu.memory_space<hbm>>) dst(%arg13 : memref<80xi32, #tpu.memory_space<vmem>>)
        tpu.yield
      }) : () -> ()
      %dma_start3A = arith.constant 0 : i32
      %dma_start3A_120 = arith.constant 0 : i32
      %dma_start3A_121 = tpu.memref_slice %arg3[%dma_start3A, %dma_start3A_120] : memref<10000x64xf32, #tpu.memory_space<hbm>> -> memref<10000x64xf32, #tpu.memory_space<hbm>>
      tpu.enqueue_indirect_dma source(%dma_start3A_121 : memref<10000x64xf32, #tpu.memory_space<hbm>>) target(%arg14 : memref<80x64xf32, #tpu.memory_space<vmem>>) offsets(%arg13 : memref<80xi32, #tpu.memory_space<vmem>>) semaphore(%arg21 : memref<!tpu.dma_semaphore, #tpu.memory_space<semaphore_mem>>)
      %dma_start3A_122 = arith.constant 0 : i32
      %dma_start3A_123 = arith.constant 0 : i32
      %dma_start3A_124 = tpu.memref_slice %arg5[%dma_start3A_122, %dma_start3A_123] : memref<10000x64xf32, #tpu.memory_space<hbm>> -> memref<10000x64xf32, #tpu.memory_space<hbm>>
      tpu.enqueue_indirect_dma source(%dma_start3A_124 : memref<10000x64xf32, #tpu.memory_space<hbm>>) target(%arg15 : memref<80x64xf32, #tpu.memory_space<vmem>>) offsets(%arg12 : memref<80xi32, #tpu.memory_space<vmem>>) semaphore(%arg22 : memref<!tpu.dma_semaphore, #tpu.memory_space<semaphore_mem>>)
      %dma_start3A_125 = arith.constant 0 : i32
      %dma_start3A_126 = arith.constant 0 : i32
      %dma_start3A_127 = tpu.memref_slice %arg7[%dma_start3A_125, %dma_start3A_126] : memref<10000x64xf32, #tpu.memory_space<hbm>> -> memref<10000x64xf32, #tpu.memory_space<hbm>>
      tpu.enqueue_indirect_dma source(%dma_start3A_127 : memref<10000x64xf32, #tpu.memory_space<hbm>>) target(%arg16 : memref<80x64xf32, #tpu.memory_space<vmem>>) offsets(%arg12 : memref<80xi32, #tpu.memory_space<vmem>>) semaphore(%arg23 : memref<!tpu.dma_semaphore, #tpu.memory_space<semaphore_mem>>)
      %dma_wait3A = arith.constant 0 : i32
      %dma_wait3A_128 = arith.constant 0 : i32
      %dma_wait3A_129 = tpu.memref_slice %arg3[%dma_wait3A, %dma_wait3A_128] : memref<10000x64xf32, #tpu.memory_space<hbm>> -> memref<10000x64xf32, #tpu.memory_space<hbm>>
      tpu.wait_indirect_dma semaphore(%arg21 : memref<!tpu.dma_semaphore, #tpu.memory_space<semaphore_mem>>) src(%dma_wait3A_129 : memref<10000x64xf32, #tpu.memory_space<hbm>>) dst(%arg14 : memref<80x64xf32, #tpu.memory_space<vmem>>)
      %dma_wait3A_130 = arith.constant 0 : i32
      %dma_wait3A_131 = arith.constant 0 : i32
      %dma_wait3A_132 = tpu.memref_slice %arg5[%dma_wait3A_130, %dma_wait3A_131] : memref<10000x64xf32, #tpu.memory_space<hbm>> -> memref<10000x64xf32, #tpu.memory_space<hbm>>
      tpu.wait_indirect_dma semaphore(%arg22 : memref<!tpu.dma_semaphore, #tpu.memory_space<semaphore_mem>>) src(%dma_wait3A_132 : memref<10000x64xf32, #tpu.memory_space<hbm>>) dst(%arg15 : memref<80x64xf32, #tpu.memory_space<vmem>>)
      %dma_wait3A_133 = arith.constant 0 : i32
      %dma_wait3A_134 = arith.constant 0 : i32
      %dma_wait3A_135 = tpu.memref_slice %arg7[%dma_wait3A_133, %dma_wait3A_134] : memref<10000x64xf32, #tpu.memory_space<hbm>> -> memref<10000x64xf32, #tpu.memory_space<hbm>>
      tpu.wait_indirect_dma semaphore(%arg23 : memref<!tpu.dma_semaphore, #tpu.memory_space<semaphore_mem>>) src(%dma_wait3A_135 : memref<10000x64xf32, #tpu.memory_space<hbm>>) dst(%arg16 : memref<80x64xf32, #tpu.memory_space<vmem>>)
      %scan3A_136 = arith.constant 0 : i32
      %scan3A_137 = arith.constant 0 : i32
      %scan3A_138 = arith.constant 80 : i32
      %scan3A_139 = arith.addi %scan3A_137, %scan3A_138 : i32
      %scan3A_140 = arith.constant 1 : i32
      scf.for %scan3A_142 = %scan3A_137 to %scan3A_139 step %scan3A_140  : i32 {
        %get3A = arith.index_cast %scan3A_142 : i32 to index
        %get3A_143 = arith.constant 0 : index
        %get3A_144 = tpu.vector_load %arg14[%get3A, %get3A_143] {strides = array<i32>} : memref<80x64xf32, #tpu.memory_space<vmem>>, vector<1x16xf32>,
        %get3A_145 = vector.shape_cast %get3A_144 : vector<1x16xf32> to vector<16xf32>
        %get3A_146 = arith.index_cast %scan3A_142 : i32 to index
        %get3A_147 = arith.constant 0 : index
        %get3A_148 = tpu.vector_load %arg15[%get3A_146, %get3A_147] {strides = array<i32>} : memref<80x64xf32, #tpu.memory_space<vmem>>, vector<1x16xf32>,
        %get3A_149 = vector.shape_cast %get3A_148 : vector<1x16xf32> to vector<16xf32>
        %mul3A_150 = arith.mulf %get3A_145, %get3A_149 : vector<16xf32>
        %get3A_151 = arith.index_cast %scan3A_142 : i32 to index
        %get3A_152 = arith.constant 16 : index
        %get3A_153 = tpu.vector_load %arg14[%get3A_151, %get3A_152] {strides = array<i32>} : memref<80x64xf32, #tpu.memory_space<vmem>>, vector<1x16xf32>,
        %get3A_154 = vector.shape_cast %get3A_153 : vector<1x16xf32> to vector<16xf32>
        %get3A_155 = arith.index_cast %scan3A_142 : i32 to index
        %get3A_156 = arith.constant 16 : index
        %get3A_157 = tpu.vector_load %arg15[%get3A_155, %get3A_156] {strides = array<i32>} : memref<80x64xf32, #tpu.memory_space<vmem>>, vector<1x16xf32>,
        %get3A_158 = vector.shape_cast %get3A_157 : vector<1x16xf32> to vector<16xf32>
        %mul3A_159 = arith.mulf %get3A_154, %get3A_158 : vector<16xf32>
        %add3A_160 = arith.addf %mul3A_150, %mul3A_159 : vector<16xf32>
        %lt3A = arith.constant 0 : i32
        %lt3A_161 = vector.broadcast %lt3A : i32 to vector<16xi32>
        %lt3A_162 = arith.cmpi slt, %and3A_6, %lt3A_161 : vector<16xi32>
        %add3A_163 = arith.constant 16 : i32
        %add3A_164 = vector.broadcast %add3A_163 : i32 to vector<16xi32>
        %add3A_165 = arith.addi %and3A_6, %add3A_164 : vector<16xi32>
        %select_n3A = arith.select %lt3A_162, %add3A_165, %and3A_6 : vector<16xi1>, vector<16xi32>
        %broadcast_in_dim3A_166 = vector.shape_cast %select_n3A : vector<16xi32> to vector<16x1xi32>
        %gather3A = vector.shape_cast %broadcast_in_dim3A_166 : vector<16x1xi32> to vector<16xi32>
        %gather3A_167 = tpu.dynamic_gather %add3A_160[%gather3A] in [0] : vector<16xf32>, vector<16xi32> -> vector<16xf32>
        %add3A_168 = arith.addf %add3A_160, %gather3A_167 : vector<16xf32>
        %lt3A_169 = arith.constant 0 : i32
        %lt3A_170 = vector.broadcast %lt3A_169 : i32 to vector<16xi32>
        %lt3A_171 = arith.cmpi slt, %and3A_12, %lt3A_170 : vector<16xi32>
        %add3A_172 = arith.constant 16 : i32
        %add3A_173 = vector.broadcast %add3A_172 : i32 to vector<16xi32>
        %add3A_174 = arith.addi %and3A_12, %add3A_173 : vector<16xi32>
        %select_n3A_175 = arith.select %lt3A_171, %add3A_174, %and3A_12 : vector<16xi1>, vector<16xi32>
        %broadcast_in_dim3A_176 = vector.shape_cast %select_n3A_175 : vector<16xi32> to vector<16x1xi32>
        %gather3A_177 = vector.shape_cast %broadcast_in_dim3A_176 : vector<16x1xi32> to vector<16xi32>
        %gather3A_178 = tpu.dynamic_gather %add3A_168[%gather3A_177] in [0] : vector<16xf32>, vector<16xi32> -> vector<16xf32>
        %add3A_179 = arith.addf %add3A_168, %gather3A_178 : vector<16xf32>
        %lt3A_180 = arith.constant 0 : i32
        %lt3A_181 = vector.broadcast %lt3A_180 : i32 to vector<16xi32>
        %lt3A_182 = arith.cmpi slt, %and3A_18, %lt3A_181 : vector<16xi32>
        %add3A_183 = arith.constant 16 : i32
        %add3A_184 = vector.broadcast %add3A_183 : i32 to vector<16xi32>
        %add3A_185 = arith.addi %and3A_18, %add3A_184 : vector<16xi32>
        %select_n3A_186 = arith.select %lt3A_182, %add3A_185, %and3A_18 : vector<16xi1>, vector<16xi32>
        %broadcast_in_dim3A_187 = vector.shape_cast %select_n3A_186 : vector<16xi32> to vector<16x1xi32>
        %gather3A_188 = vector.shape_cast %broadcast_in_dim3A_187 : vector<16x1xi32> to vector<16xi32>
        %gather3A_189 = tpu.dynamic_gather %add3A_179[%gather3A_188] in [0] : vector<16xf32>, vector<16xi32> -> vector<16xf32>
        %add3A_190 = arith.addf %add3A_179, %gather3A_189 : vector<16xf32>
        %lt3A_191 = arith.constant 0 : i32
        %lt3A_192 = vector.broadcast %lt3A_191 : i32 to vector<16xi32>
        %lt3A_193 = arith.cmpi slt, %and3A_24, %lt3A_192 : vector<16xi32>
        %add3A_194 = arith.constant 16 : i32
        %add3A_195 = vector.broadcast %add3A_194 : i32 to vector<16xi32>
        %add3A_196 = arith.addi %and3A_24, %add3A_195 : vector<16xi32>
        %select_n3A_197 = arith.select %lt3A_193, %add3A_196, %and3A_24 : vector<16xi1>, vector<16xi32>
        %broadcast_in_dim3A_198 = vector.shape_cast %select_n3A_197 : vector<16xi32> to vector<16x1xi32>
        %gather3A_199 = vector.shape_cast %broadcast_in_dim3A_198 : vector<16x1xi32> to vector<16xi32>
        %gather3A_200 = tpu.dynamic_gather %add3A_190[%gather3A_199] in [0] : vector<16xf32>, vector<16xi32> -> vector<16xf32>
        %add3A_201 = arith.addf %add3A_190, %gather3A_200 : vector<16xf32>
        %exp3A = math.exp %add3A_201 : vector<16xf32>
        %get3A_202 = arith.index_cast %scan3A_142 : i32 to index
        %get3A_203 = arith.constant 0 : index
        %get3A_204 = tpu.vector_load %arg16[%get3A_202, %get3A_203] {strides = array<i32>} : memref<80x64xf32, #tpu.memory_space<vmem>>, vector<1x16xf32>,
        %get3A_205 = vector.shape_cast %get3A_204 : vector<1x16xf32> to vector<16xf32>
        %mul3A_206 = arith.mulf %exp3A, %get3A_205 : vector<16xf32>
        %swap3A = arith.index_cast %scan3A_142 : i32 to index
        %swap3A_207 = arith.constant 0 : index
        %swap3A_208 = tpu.vector_load %arg17[%swap3A, %swap3A_207] {strides = array<i32>} : memref<80x64xf32, #tpu.memory_space<vmem>>, vector<1x16xf32>,
        %swap3A_209 = vector.shape_cast %swap3A_208 : vector<1x16xf32> to vector<16xf32>
        %swap3A_210 = vector.shape_cast %mul3A_206 : vector<16xf32> to vector<1x16xf32>
        tpu.vector_store %arg17[%swap3A, %swap3A_207], %swap3A_210 {strides = array<i32>} : memref<80x64xf32, #tpu.memory_space<vmem>>, vector<1x16xf32>,
        %get3A_211 = arith.index_cast %scan3A_142 : i32 to index
        %get3A_212 = arith.constant 16 : index
        %get3A_213 = tpu.vector_load %arg16[%get3A_211, %get3A_212] {strides = array<i32>} : memref<80x64xf32, #tpu.memory_space<vmem>>, vector<1x16xf32>,
        %get3A_214 = vector.shape_cast %get3A_213 : vector<1x16xf32> to vector<16xf32>
        %mul3A_215 = arith.mulf %exp3A, %get3A_214 : vector<16xf32>
        %swap3A_216 = arith.index_cast %scan3A_142 : i32 to index
        %swap3A_217 = arith.constant 16 : index
        %swap3A_218 = tpu.vector_load %arg17[%swap3A_216, %swap3A_217] {strides = array<i32>} : memref<80x64xf32, #tpu.memory_space<vmem>>, vector<1x16xf32>,
        %swap3A_219 = vector.shape_cast %swap3A_218 : vector<1x16xf32> to vector<16xf32>
        %swap3A_220 = vector.shape_cast %mul3A_215 : vector<16xf32> to vector<1x16xf32>
        tpu.vector_store %arg17[%swap3A_216, %swap3A_217], %swap3A_220 {strides = array<i32>} : memref<80x64xf32, #tpu.memory_space<vmem>>, vector<1x16xf32>,
        %get3A_221 = arith.index_cast %scan3A_142 : i32 to index
        %get3A_222 = arith.constant 32 : index
        %get3A_223 = tpu.vector_load %arg14[%get3A_221, %get3A_222] {strides = array<i32>} : memref<80x64xf32, #tpu.memory_space<vmem>>, vector<1x16xf32>,
        %get3A_224 = vector.shape_cast %get3A_223 : vector<1x16xf32> to vector<16xf32>
        %get3A_225 = arith.index_cast %scan3A_142 : i32 to index
        %get3A_226 = arith.constant 32 : index
        %get3A_227 = tpu.vector_load %arg15[%get3A_225, %get3A_226] {strides = array<i32>} : memref<80x64xf32, #tpu.memory_space<vmem>>, vector<1x16xf32>,
        %get3A_228 = vector.shape_cast %get3A_227 : vector<1x16xf32> to vector<16xf32>
        %mul3A_229 = arith.mulf %get3A_224, %get3A_228 : vector<16xf32>
        %get3A_230 = arith.index_cast %scan3A_142 : i32 to index
        %get3A_231 = arith.constant 48 : index
        %get3A_232 = tpu.vector_load %arg14[%get3A_230, %get3A_231] {strides = array<i32>} : memref<80x64xf32, #tpu.memory_space<vmem>>, vector<1x16xf32>,
        %get3A_233 = vector.shape_cast %get3A_232 : vector<1x16xf32> to vector<16xf32>
        %get3A_234 = arith.index_cast %scan3A_142 : i32 to index
        %get3A_235 = arith.constant 48 : index
        %get3A_236 = tpu.vector_load %arg15[%get3A_234, %get3A_235] {strides = array<i32>} : memref<80x64xf32, #tpu.memory_space<vmem>>, vector<1x16xf32>,
        %get3A_237 = vector.shape_cast %get3A_236 : vector<1x16xf32> to vector<16xf32>
        %mul3A_238 = arith.mulf %get3A_233, %get3A_237 : vector<16xf32>
        %add3A_239 = arith.addf %mul3A_229, %mul3A_238 : vector<16xf32>
        %lt3A_240 = arith.constant 0 : i32
        %lt3A_241 = vector.broadcast %lt3A_240 : i32 to vector<16xi32>
        %lt3A_242 = arith.cmpi slt, %and3A_6, %lt3A_241 : vector<16xi32>
        %add3A_243 = arith.constant 16 : i32
        %add3A_244 = vector.broadcast %add3A_243 : i32 to vector<16xi32>
        %add3A_245 = arith.addi %and3A_6, %add3A_244 : vector<16xi32>
        %select_n3A_246 = arith.select %lt3A_242, %add3A_245, %and3A_6 : vector<16xi1>, vector<16xi32>
        %broadcast_in_dim3A_247 = vector.shape_cast %select_n3A_246 : vector<16xi32> to vector<16x1xi32>
        %gather3A_248 = vector.shape_cast %broadcast_in_dim3A_247 : vector<16x1xi32> to vector<16xi32>
        %gather3A_249 = tpu.dynamic_gather %add3A_239[%gather3A_248] in [0] : vector<16xf32>, vector<16xi32> -> vector<16xf32>
        %add3A_250 = arith.addf %add3A_239, %gather3A_249 : vector<16xf32>
        %lt3A_251 = arith.constant 0 : i32
        %lt3A_252 = vector.broadcast %lt3A_251 : i32 to vector<16xi32>
        %lt3A_253 = arith.cmpi slt, %and3A_12, %lt3A_252 : vector<16xi32>
        %add3A_254 = arith.constant 16 : i32
        %add3A_255 = vector.broadcast %add3A_254 : i32 to vector<16xi32>
        %add3A_256 = arith.addi %and3A_12, %add3A_255 : vector<16xi32>
        %select_n3A_257 = arith.select %lt3A_253, %add3A_256, %and3A_12 : vector<16xi1>, vector<16xi32>
        %broadcast_in_dim3A_258 = vector.shape_cast %select_n3A_257 : vector<16xi32> to vector<16x1xi32>
        %gather3A_259 = vector.shape_cast %broadcast_in_dim3A_258 : vector<16x1xi32> to vector<16xi32>
        %gather3A_260 = tpu.dynamic_gather %add3A_250[%gather3A_259] in [0] : vector<16xf32>, vector<16xi32> -> vector<16xf32>
        %add3A_261 = arith.addf %add3A_250, %gather3A_260 : vector<16xf32>
        %lt3A_262 = arith.constant 0 : i32
        %lt3A_263 = vector.broadcast %lt3A_262 : i32 to vector<16xi32>
        %lt3A_264 = arith.cmpi slt, %and3A_18, %lt3A_263 : vector<16xi32>
        %add3A_265 = arith.constant 16 : i32
        %add3A_266 = vector.broadcast %add3A_265 : i32 to vector<16xi32>
        %add3A_267 = arith.addi %and3A_18, %add3A_266 : vector<16xi32>
        %select_n3A_268 = arith.select %lt3A_264, %add3A_267, %and3A_18 : vector<16xi1>, vector<16xi32>
        %broadcast_in_dim3A_269 = vector.shape_cast %select_n3A_268 : vector<16xi32> to vector<16x1xi32>
        %gather3A_270 = vector.shape_cast %broadcast_in_dim3A_269 : vector<16x1xi32> to vector<16xi32>
        %gather3A_271 = tpu.dynamic_gather %add3A_261[%gather3A_270] in [0] : vector<16xf32>, vector<16xi32> -> vector<16xf32>
        %add3A_272 = arith.addf %add3A_261, %gather3A_271 : vector<16xf32>
        %lt3A_273 = arith.constant 0 : i32
        %lt3A_274 = vector.broadcast %lt3A_273 : i32 to vector<16xi32>
        %lt3A_275 = arith.cmpi slt, %and3A_24, %lt3A_274 : vector<16xi32>
        %add3A_276 = arith.constant 16 : i32
        %add3A_277 = vector.broadcast %add3A_276 : i32 to vector<16xi32>
        %add3A_278 = arith.addi %and3A_24, %add3A_277 : vector<16xi32>
        %select_n3A_279 = arith.select %lt3A_275, %add3A_278, %and3A_24 : vector<16xi1>, vector<16xi32>
        %broadcast_in_dim3A_280 = vector.shape_cast %select_n3A_279 : vector<16xi32> to vector<16x1xi32>
        %gather3A_281 = vector.shape_cast %broadcast_in_dim3A_280 : vector<16x1xi32> to vector<16xi32>
        %gather3A_282 = tpu.dynamic_gather %add3A_272[%gather3A_281] in [0] : vector<16xf32>, vector<16xi32> -> vector<16xf32>
        %add3A_283 = arith.addf %add3A_272, %gather3A_282 : vector<16xf32>
        %exp3A_284 = math.exp %add3A_283 : vector<16xf32>
        %get3A_285 = arith.index_cast %scan3A_142 : i32 to index
        %get3A_286 = arith.constant 32 : index
        %get3A_287 = tpu.vector_load %arg16[%get3A_285, %get3A_286] {strides = array<i32>} : memref<80x64xf32, #tpu.memory_space<vmem>>, vector<1x16xf32>,
        %get3A_288 = vector.shape_cast %get3A_287 : vector<1x16xf32> to vector<16xf32>
        %mul3A_289 = arith.mulf %exp3A_284, %get3A_288 : vector<16xf32>
        %swap3A_290 = arith.index_cast %scan3A_142 : i32 to index
        %swap3A_291 = arith.constant 32 : index
        %swap3A_292 = tpu.vector_load %arg17[%swap3A_290, %swap3A_291] {strides = array<i32>} : memref<80x64xf32, #tpu.memory_space<vmem>>, vector<1x16xf32>,
        %swap3A_293 = vector.shape_cast %swap3A_292 : vector<1x16xf32> to vector<16xf32>
        %swap3A_294 = vector.shape_cast %mul3A_289 : vector<16xf32> to vector<1x16xf32>
        tpu.vector_store %arg17[%swap3A_290, %swap3A_291], %swap3A_294 {strides = array<i32>} : memref<80x64xf32, #tpu.memory_space<vmem>>, vector<1x16xf32>,
        %get3A_295 = arith.index_cast %scan3A_142 : i32 to index
        %get3A_296 = arith.constant 48 : index
        %get3A_297 = tpu.vector_load %arg16[%get3A_295, %get3A_296] {strides = array<i32>} : memref<80x64xf32, #tpu.memory_space<vmem>>, vector<1x16xf32>,
        %get3A_298 = vector.shape_cast %get3A_297 : vector<1x16xf32> to vector<16xf32>
        %mul3A_299 = arith.mulf %exp3A_284, %get3A_298 : vector<16xf32>
        %swap3A_300 = arith.index_cast %scan3A_142 : i32 to index
        %swap3A_301 = arith.constant 48 : index
        %swap3A_302 = tpu.vector_load %arg17[%swap3A_300, %swap3A_301] {strides = array<i32>} : memref<80x64xf32, #tpu.memory_space<vmem>>, vector<1x16xf32>,
        %swap3A_303 = vector.shape_cast %swap3A_302 : vector<1x16xf32> to vector<16xf32>
        %swap3A_304 = vector.shape_cast %mul3A_299 : vector<16xf32> to vector<1x16xf32>
        tpu.vector_store %arg17[%swap3A_300, %swap3A_301], %swap3A_304 {strides = array<i32>} : memref<80x64xf32, #tpu.memory_space<vmem>>, vector<1x16xf32>,
        %eq3A = arith.constant 2 : i32
        %eq3A_305 = vector.broadcast %eq3A : i32 to vector<16xi32>
        %eq3A_306 = arith.cmpi eq, %iota3A, %eq3A_305 : vector<16xi32>
        %eq3A_307 = arith.constant 3 : i32
        %eq3A_308 = vector.broadcast %eq3A_307 : i32 to vector<16xi32>
        %eq3A_309 = arith.cmpi eq, %iota3A, %eq3A_308 : vector<16xi32>
        %jit3A = arith.constant 0.000000e+00 : f32
        %broadcast_in_dim3A_310 = vector.broadcast %jit3A : f32 to vector<16xf32>
        %select_n3A_311 = arith.select %eq3A_309, %exp3A_284, %broadcast_in_dim3A_310 : vector<16xi1>, vector<16xf32>
        %select_n3A_312 = arith.select %eq3A_306, %exp3A, %select_n3A_311 : vector<16xi1>, vector<16xf32>
        %swap3A_313 = arith.index_cast %scan3A_142 : i32 to index
        %swap3A_314 = arith.constant 0 : index
        %swap3A_315 = tpu.vector_load %arg18[%swap3A_313, %swap3A_314] {strides = array<i32>} : memref<80x16xf32, #tpu.memory_space<vmem>>, vector<1x16xf32>,
        %swap3A_316 = vector.shape_cast %swap3A_315 : vector<1x16xf32> to vector<16xf32>
        %swap3A_317 = vector.shape_cast %select_n3A_312 : vector<16xf32> to vector<1x16xf32>
        tpu.vector_store %arg18[%swap3A_313, %swap3A_314], %swap3A_317 {strides = array<i32>} : memref<80x16xf32, #tpu.memory_space<vmem>>, vector<1x16xf32>,
      }
      %scan3A_141 = arith.constant 80 : i32
      "tpu.region"() ({
        %run_scoped3A = tpu.sem_alloc : memref<!tpu.dma_semaphore, #tpu.memory_space<semaphore_mem>>
        %dma_start3A_142 = arith.constant 0 : i32
        %dma_start3A_143 = arith.constant 0 : i32
        %dma_start3A_144 = tpu.memref_slice %arg19[%dma_start3A_142, %dma_start3A_143] : memref<10240x64xf32, #tpu.memory_space<vmem_shared>> -> memref<10240x64xf32, #tpu.memory_space<vmem_shared>>
        tpu.enqueue_indirect_dma source(%arg17 : memref<80x64xf32, #tpu.memory_space<vmem>>) target(%dma_start3A_144 : memref<10240x64xf32, #tpu.memory_space<vmem_shared>>) offsets(%arg13 : memref<80xi32, #tpu.memory_space<vmem>>) semaphore(%run_scoped3A : memref<!tpu.dma_semaphore, #tpu.memory_space<semaphore_mem>>) {add = true}
        %dma_wait3A_145 = arith.constant 0 : i32
        %dma_wait3A_146 = arith.constant 0 : i32
        %dma_wait3A_147 = tpu.memref_slice %arg19[%dma_wait3A_145, %dma_wait3A_146] : memref<10240x64xf32, #tpu.memory_space<vmem_shared>> -> memref<10240x64xf32, #tpu.memory_space<vmem_shared>>
        tpu.wait_indirect_dma semaphore(%run_scoped3A : memref<!tpu.dma_semaphore, #tpu.memory_space<semaphore_mem>>) src(%arg17 : memref<80x64xf32, #tpu.memory_space<vmem>>) dst(%dma_wait3A_147 : memref<10240x64xf32, #tpu.memory_space<vmem_shared>>)
        tpu.yield
      }) : () -> ()
      "tpu.region"() ({
        %run_scoped3A = tpu.sem_alloc : memref<!tpu.dma_semaphore, #tpu.memory_space<semaphore_mem>>
        %dma_start3A_142 = arith.constant 0 : i32
        %dma_start3A_143 = arith.constant 0 : i32
        %dma_start3A_144 = tpu.memref_slice %arg20[%dma_start3A_142, %dma_start3A_143] : memref<10240x16xf32, #tpu.memory_space<vmem_shared>> -> memref<10240x16xf32, #tpu.memory_space<vmem_shared>>
        tpu.enqueue_indirect_dma source(%arg18 : memref<80x16xf32, #tpu.memory_space<vmem>>) target(%dma_start3A_144 : memref<10240x16xf32, #tpu.memory_space<vmem_shared>>) offsets(%arg13 : memref<80xi32, #tpu.memory_space<vmem>>) semaphore(%run_scoped3A : memref<!tpu.dma_semaphore, #tpu.memory_space<semaphore_mem>>) {add = true}
        %dma_wait3A_145 = arith.constant 0 : i32
        %dma_wait3A_146 = arith.constant 0 : i32
        %dma_wait3A_147 = tpu.memref_slice %arg20[%dma_wait3A_145, %dma_wait3A_146] : memref<10240x16xf32, #tpu.memory_space<vmem_shared>> -> memref<10240x16xf32, #tpu.memory_space<vmem_shared>>
        tpu.wait_indirect_dma semaphore(%run_scoped3A : memref<!tpu.dma_semaphore, #tpu.memory_space<semaphore_mem>>) src(%arg18 : memref<80x16xf32, #tpu.memory_space<vmem>>) dst(%dma_wait3A_147 : memref<10240x16xf32, #tpu.memory_space<vmem_shared>>)
        tpu.yield
      }) : () -> ()
    }
    %scan3A_104 = arith.constant 125 : i32
    %barrier3A_105 = arith.constant 0 : index
    tpu.barrier barrier_id(%barrier3A_105)
    %add3A_106 = arith.constant 2 : i32
    %add3A_107 = arith.addi %add3A_106, %arg0 : i32
    %mul3A_108 = arith.constant 10240 : i32
    %mul3A_109 = arith.muli %add3A_107, %mul3A_108 : i32
    %add3A_110 = arith.addi %mul3A_109, %mul3A_26 : i32
    "tpu.region"() ({
      %run_scoped3A = tpu.sem_alloc : memref<!tpu.dma_semaphore, #tpu.memory_space<semaphore_mem>>
      %dma_start3A = arith.constant 0 : i32
      %dma_start3A_114 = tpu.memref_slice %arg10[%add3A_110, %dma_start3A] : memref<40960x64xf32, #tpu.memory_space<hbm>> -> memref<640x64xf32, #tpu.memory_space<hbm>>
      %dma_start3A_115 = arith.constant 0 : i32
      %dma_start3A_116 = tpu.memref_slice %arg19[%mul3A_26, %dma_start3A_115] : memref<10240x64xf32, #tpu.memory_space<vmem_shared>> -> memref<640x64xf32, #tpu.memory_space<vmem_shared>>
      tpu.enqueue_dma source(%dma_start3A_116 : memref<640x64xf32, #tpu.memory_space<vmem_shared>>) target(%dma_start3A_114 : memref<640x64xf32, #tpu.memory_space<hbm>>) target_semaphore(%run_scoped3A : memref<!tpu.dma_semaphore, #tpu.memory_space<semaphore_mem>>)
      %dma_wait3A = arith.constant 0 : i32
      %dma_wait3A_117 = tpu.memref_slice %arg10[%add3A_110, %dma_wait3A] : memref<40960x64xf32, #tpu.memory_space<hbm>> -> memref<640x64xf32, #tpu.memory_space<hbm>>
      %dma_wait3A_118 = arith.constant 0 : i32
      %dma_wait3A_119 = tpu.memref_slice %arg19[%mul3A_26, %dma_wait3A_118] : memref<10240x64xf32, #tpu.memory_space<vmem_shared>> -> memref<640x64xf32, #tpu.memory_space<vmem_shared>>
      tpu.wait_dma2 semaphore(%run_scoped3A : memref<!tpu.dma_semaphore, #tpu.memory_space<semaphore_mem>>) src(%dma_wait3A_119 : memref<640x64xf32, #tpu.memory_space<vmem_shared>>) dst(%dma_wait3A_117 : memref<640x64xf32, #tpu.memory_space<hbm>>)
      tpu.yield
    }) : () -> ()
    %mul3A_111 = arith.constant 10240 : i32
    %mul3A_112 = arith.muli %arg0, %mul3A_111 : i32
    %add3A_113 = arith.addi %mul3A_112, %mul3A_26 : i32
    "tpu.region"() ({
      %run_scoped3A = tpu.sem_alloc : memref<!tpu.dma_semaphore, #tpu.memory_space<semaphore_mem>>
      %dma_start3A = arith.constant 0 : i32
      %dma_start3A_114 = tpu.memref_slice %arg11[%add3A_113, %dma_start3A] : memref<20480x16xf32, #tpu.memory_space<hbm>> -> memref<640x16xf32, #tpu.memory_space<hbm>>
      %dma_start3A_115 = arith.constant 0 : i32
      %dma_start3A_116 = tpu.memref_slice %arg20[%mul3A_26, %dma_start3A_115] : memref<10240x16xf32, #tpu.memory_space<vmem_shared>> -> memref<640x16xf32, #tpu.memory_space<vmem_shared>>
      tpu.enqueue_dma source(%dma_start3A_116 : memref<640x16xf32, #tpu.memory_space<vmem_shared>>) target(%dma_start3A_114 : memref<640x16xf32, #tpu.memory_space<hbm>>) target_semaphore(%run_scoped3A : memref<!tpu.dma_semaphore, #tpu.memory_space<semaphore_mem>>)
      %dma_wait3A = arith.constant 0 : i32
      %dma_wait3A_117 = tpu.memref_slice %arg11[%add3A_113, %dma_wait3A] : memref<20480x16xf32, #tpu.memory_space<hbm>> -> memref<640x16xf32, #tpu.memory_space<hbm>>
      %dma_wait3A_118 = arith.constant 0 : i32
      %dma_wait3A_119 = tpu.memref_slice %arg20[%mul3A_26, %dma_wait3A_118] : memref<10240x16xf32, #tpu.memory_space<vmem_shared>> -> memref<640x16xf32, #tpu.memory_space<vmem_shared>>
      tpu.wait_dma2 semaphore(%run_scoped3A : memref<!tpu.dma_semaphore, #tpu.memory_space<semaphore_mem>>) src(%dma_wait3A_119 : memref<640x16xf32, #tpu.memory_space<vmem_shared>>) dst(%dma_wait3A_117 : memref<640x16xf32, #tpu.memory_space<hbm>>)
      tpu.yield
    }) : () -> ()
    return
  }
}

module attributes {stable_mosaic.version = 14 : i64} {
  func.func @_proj_body(%arg0: i32, %arg1: memref<1000x128xf32, #tpu.memory_space<vmem>>, %arg2: memref<128x512xf32, #tpu.memory_space<vmem>>, %arg3: memref<1x512xf32, #tpu.memory_space<vmem>>, %arg4: memref<1000x512xf32, #tpu.memory_space<vmem>>) attributes {dimension_semantics = [#tpu.dimension_semantics<arbitrary>], iteration_bounds = array<i64: 10>, scalar_prefetch = 0 : i64, scratch_operands = 0 : i64, tpu.core_type = #tpu.core_type<tc>, window_params = [{transform_indices = @transform_0, window_bounds = array<i64: 1000, 128>}, {pipeline_mode = #tpu.pipeline_mode<synchronous>, transform_indices = @transform_1, window_bounds = array<i64: 128, 512>}, {pipeline_mode = #tpu.pipeline_mode<synchronous>, transform_indices = @transform_2, window_bounds = array<i64: 1, 512>}, {transform_indices = @transform_3, window_bounds = array<i64: 1000, 512>}]} {
    %get3A = arith.constant 0 : index
    %get3A_0 = arith.constant 0 : index
    %get3A_1 = vector.load %arg1[%get3A, %get3A_0] : memref<1000x128xf32, #tpu.memory_space<vmem>>, vector<1000x128xf32>
    %get3A_2 = arith.constant 0 : index
    %get3A_3 = arith.constant 0 : index
    %get3A_4 = vector.load %arg2[%get3A_2, %get3A_3] : memref<128x512xf32, #tpu.memory_space<vmem>>, vector<128x512xf32>
    %dot_general3A = arith.constant dense<0.000000e+00> : vector<1000x512xf32>
    %dot_general3A_5 = tpu.matmul %get3A_1, %get3A_4, %dot_general3A {dimension_numbers = #tpu.dot_dimension_numbers<[1], [0], [0], [1], [0, 0, 1, 1], [], []>, transpose_lhs_hint = false} : vector<1000x128xf32>, vector<128x512xf32>, vector<1000x512xf32> -> vector<1000x512xf32>
    %get3A_6 = arith.constant 0 : index
    %get3A_7 = arith.constant 0 : index
    %get3A_8 = vector.load %arg3[%get3A_6, %get3A_7] : memref<1x512xf32, #tpu.memory_space<vmem>>, vector<1x512xf32>
    %add3A = vector.broadcast %get3A_8 : vector<1x512xf32> to vector<1000x512xf32>
    %add3A_9 = arith.addf %dot_general3A_5, %add3A : vector<1000x512xf32>
    %swap3A = arith.constant 0 : index
    %swap3A_10 = arith.constant 0 : index
    %swap3A_11 = vector.load %arg4[%swap3A, %swap3A_10] : memref<1000x512xf32, #tpu.memory_space<vmem>>, vector<1000x512xf32>
    tpu.vector_store %arg4[%swap3A, %swap3A_10], %add3A_9 {strides = array<i32>} : memref<1000x512xf32, #tpu.memory_space<vmem>>, vector<1000x512xf32>,
    return
  }
  func.func @transform_0(%arg0: i32) -> (i32, i32) {
    %c0_i32 = arith.constant 0 : i32
    %c0_i32_0 = arith.constant 0 : i32
    return %arg0, %c0_i32 : i32, i32
  }
  func.func @transform_1(%arg0: i32) -> (i32, i32) {
    %c0_i32 = arith.constant 0 : i32
    %c0_i32_0 = arith.constant 0 : i32
    %c0_i32_1 = arith.constant 0 : i32
    return %c0_i32, %c0_i32_0 : i32, i32
  }
  func.func @transform_2(%arg0: i32) -> (i32, i32) {
    %c0_i32 = arith.constant 0 : i32
    %c0_i32_0 = arith.constant 0 : i32
    %c0_i32_1 = arith.constant 0 : i32
    return %c0_i32, %c0_i32_0 : i32, i32
  }
  func.func @transform_3(%arg0: i32) -> (i32, i32) {
    %c0_i32 = arith.constant 0 : i32
    %c0_i32_0 = arith.constant 0 : i32
    return %arg0, %c0_i32 : i32, i32
  }
}

module attributes {stable_mosaic.version = 14 : i64} {
  func.func @_final_body(%arg0: i32, %arg1: memref<1000x64xf32, #tpu.memory_space<vmem>>, %arg2: memref<1000x64xf32, #tpu.memory_space<vmem>>, %arg3: memref<1000x64xf32, #tpu.memory_space<vmem>>, %arg4: memref<1000x64xf32, #tpu.memory_space<vmem>>, %arg5: memref<1000x16xf32, #tpu.memory_space<vmem>>, %arg6: memref<1000x16xf32, #tpu.memory_space<vmem>>, %arg7: memref<1000x128xf32, #tpu.memory_space<vmem>>, %arg8: memref<1000x128xf32, #tpu.memory_space<vmem>>, %arg9: memref<128x128xf32, #tpu.memory_space<vmem>>, %arg10: memref<1x128xf32, #tpu.memory_space<vmem>>, %arg11: memref<1x128xf32, #tpu.memory_space<vmem>>, %arg12: memref<1x128xf32, #tpu.memory_space<vmem>>, %arg13: memref<1000x128xf32, #tpu.memory_space<vmem>>) attributes {dimension_semantics = [#tpu.dimension_semantics<arbitrary>], iteration_bounds = array<i64: 10>, scalar_prefetch = 0 : i64, scratch_operands = 0 : i64, tpu.core_type = #tpu.core_type<tc>, window_params = [{transform_indices = @transform_0, window_bounds = array<i64: 1000, 64>}, {transform_indices = @transform_1, window_bounds = array<i64: 1000, 64>}, {transform_indices = @transform_2, window_bounds = array<i64: 1000, 64>}, {transform_indices = @transform_3, window_bounds = array<i64: 1000, 64>}, {transform_indices = @transform_4, window_bounds = array<i64: 1000, 16>}, {transform_indices = @transform_5, window_bounds = array<i64: 1000, 16>}, {transform_indices = @transform_6, window_bounds = array<i64: 1000, 128>}, {transform_indices = @transform_7, window_bounds = array<i64: 1000, 128>}, {pipeline_mode = #tpu.pipeline_mode<synchronous>, transform_indices = @transform_8, window_bounds = array<i64: 128, 128>}, {pipeline_mode = #tpu.pipeline_mode<synchronous>, transform_indices = @transform_9, window_bounds = array<i64: 1, 128>}, {pipeline_mode = #tpu.pipeline_mode<synchronous>, transform_indices = @transform_10, window_bounds = array<i64: 1, 128>}, {pipeline_mode = #tpu.pipeline_mode<synchronous>, transform_indices = @transform_11, window_bounds = array<i64: 1, 128>}, {transform_indices = @transform_12, window_bounds = array<i64: 1000, 128>}]} {
    %get3A = arith.constant 0 : index
    %get3A_0 = arith.constant 0 : index
    %get3A_1 = vector.load %arg1[%get3A, %get3A_0] : memref<1000x64xf32, #tpu.memory_space<vmem>>, vector<1000x64xf32>
    %get3A_2 = arith.constant 0 : index
    %get3A_3 = arith.constant 0 : index
    %get3A_4 = vector.load %arg2[%get3A_2, %get3A_3] : memref<1000x64xf32, #tpu.memory_space<vmem>>, vector<1000x64xf32>
    %add3A = arith.addf %get3A_1, %get3A_4 : vector<1000x64xf32>
    %get3A_5 = arith.constant 0 : index
    %get3A_6 = arith.constant 0 : index
    %get3A_7 = vector.load %arg3[%get3A_5, %get3A_6] : memref<1000x64xf32, #tpu.memory_space<vmem>>, vector<1000x64xf32>
    %get3A_8 = arith.constant 0 : index
    %get3A_9 = arith.constant 0 : index
    %get3A_10 = vector.load %arg4[%get3A_8, %get3A_9] : memref<1000x64xf32, #tpu.memory_space<vmem>>, vector<1000x64xf32>
    %add3A_11 = arith.addf %get3A_7, %get3A_10 : vector<1000x64xf32>
    %get3A_12 = arith.constant 0 : index
    %get3A_13 = arith.constant 0 : index
    %get3A_14 = vector.load %arg5[%get3A_12, %get3A_13] : memref<1000x16xf32, #tpu.memory_space<vmem>>, vector<1000x16xf32>
    %get3A_15 = arith.constant 0 : index
    %get3A_16 = arith.constant 0 : index
    %get3A_17 = vector.load %arg6[%get3A_15, %get3A_16] : memref<1000x16xf32, #tpu.memory_space<vmem>>, vector<1000x16xf32>
    %add3A_18 = arith.addf %get3A_14, %get3A_17 : vector<1000x16xf32>
    %slice3A = vector.extract_strided_slice %add3A_18 {offsets = [0, 0], sizes = [1000, 1], strides = [1, 1]} : vector<1000x16xf32> to vector<1000x1xf32>
    %add3A_19 = arith.constant 1.000000e-16 : f32
    %add3A_20 = vector.broadcast %add3A_19 : f32 to vector<1000x1xf32>
    %add3A_21 = arith.addf %slice3A, %add3A_20 : vector<1000x1xf32>
    %slice3A_22 = vector.extract_strided_slice %add3A {offsets = [0, 0], sizes = [1000, 32], strides = [1, 1]} : vector<1000x64xf32> to vector<1000x32xf32>
    %div3A = vector.broadcast %add3A_21 : vector<1000x1xf32> to vector<1000x32xf32>
    %div3A_23 = arith.divf %slice3A_22, %div3A : vector<1000x32xf32>
    %get3A_24 = arith.constant 0 : index
    %get3A_25 = arith.constant 0 : index
    %get3A_26 = vector.load %arg7[%get3A_24, %get3A_25] : memref<1000x128xf32, #tpu.memory_space<vmem>>, vector<1000x32xf32>
    %add3A_27 = arith.addf %div3A_23, %get3A_26 : vector<1000x32xf32>
    %slice3A_28 = vector.extract_strided_slice %add3A_18 {offsets = [0, 1], sizes = [1000, 1], strides = [1, 1]} : vector<1000x16xf32> to vector<1000x1xf32>
    %add3A_29 = arith.constant 1.000000e-16 : f32
    %add3A_30 = vector.broadcast %add3A_29 : f32 to vector<1000x1xf32>
    %add3A_31 = arith.addf %slice3A_28, %add3A_30 : vector<1000x1xf32>
    %slice3A_32 = vector.extract_strided_slice %add3A {offsets = [0, 32], sizes = [1000, 32], strides = [1, 1]} : vector<1000x64xf32> to vector<1000x32xf32>
    %div3A_33 = vector.broadcast %add3A_31 : vector<1000x1xf32> to vector<1000x32xf32>
    %div3A_34 = arith.divf %slice3A_32, %div3A_33 : vector<1000x32xf32>
    %get3A_35 = arith.constant 0 : index
    %get3A_36 = arith.constant 32 : index
    %get3A_37 = vector.load %arg7[%get3A_35, %get3A_36] : memref<1000x128xf32, #tpu.memory_space<vmem>>, vector<1000x32xf32>
    %add3A_38 = arith.addf %div3A_34, %get3A_37 : vector<1000x32xf32>
    %slice3A_39 = vector.extract_strided_slice %add3A_18 {offsets = [0, 2], sizes = [1000, 1], strides = [1, 1]} : vector<1000x16xf32> to vector<1000x1xf32>
    %add3A_40 = arith.constant 1.000000e-16 : f32
    %add3A_41 = vector.broadcast %add3A_40 : f32 to vector<1000x1xf32>
    %add3A_42 = arith.addf %slice3A_39, %add3A_41 : vector<1000x1xf32>
    %slice3A_43 = vector.extract_strided_slice %add3A_11 {offsets = [0, 0], sizes = [1000, 32], strides = [1, 1]} : vector<1000x64xf32> to vector<1000x32xf32>
    %div3A_44 = vector.broadcast %add3A_42 : vector<1000x1xf32> to vector<1000x32xf32>
    %div3A_45 = arith.divf %slice3A_43, %div3A_44 : vector<1000x32xf32>
    %get3A_46 = arith.constant 0 : index
    %get3A_47 = arith.constant 64 : index
    %get3A_48 = vector.load %arg7[%get3A_46, %get3A_47] : memref<1000x128xf32, #tpu.memory_space<vmem>>, vector<1000x32xf32>
    %add3A_49 = arith.addf %div3A_45, %get3A_48 : vector<1000x32xf32>
    %slice3A_50 = vector.extract_strided_slice %add3A_18 {offsets = [0, 3], sizes = [1000, 1], strides = [1, 1]} : vector<1000x16xf32> to vector<1000x1xf32>
    %add3A_51 = arith.constant 1.000000e-16 : f32
    %add3A_52 = vector.broadcast %add3A_51 : f32 to vector<1000x1xf32>
    %add3A_53 = arith.addf %slice3A_50, %add3A_52 : vector<1000x1xf32>
    %slice3A_54 = vector.extract_strided_slice %add3A_11 {offsets = [0, 32], sizes = [1000, 32], strides = [1, 1]} : vector<1000x64xf32> to vector<1000x32xf32>
    %div3A_55 = vector.broadcast %add3A_53 : vector<1000x1xf32> to vector<1000x32xf32>
    %div3A_56 = arith.divf %slice3A_54, %div3A_55 : vector<1000x32xf32>
    %get3A_57 = arith.constant 0 : index
    %get3A_58 = arith.constant 96 : index
    %get3A_59 = vector.load %arg7[%get3A_57, %get3A_58] : memref<1000x128xf32, #tpu.memory_space<vmem>>, vector<1000x32xf32>
    %add3A_60 = arith.addf %div3A_56, %get3A_59 : vector<1000x32xf32>
    %concatenate3A = tpu.concatenate %add3A_27, %add3A_38, %add3A_49, %add3A_60 in 1 : vector<1000x32xf32>, vector<1000x32xf32>, vector<1000x32xf32>, vector<1000x32xf32> -> vector<1000x128xf32>
    %get3A_61 = arith.constant 0 : index
    %get3A_62 = arith.constant 0 : index
    %get3A_63 = vector.load %arg9[%get3A_61, %get3A_62] : memref<128x128xf32, #tpu.memory_space<vmem>>, vector<128x128xf32>
    %dot_general3A = arith.constant dense<0.000000e+00> : vector<1000x128xf32>
    %dot_general3A_64 = tpu.matmul %concatenate3A, %get3A_63, %dot_general3A {dimension_numbers = #tpu.dot_dimension_numbers<[1], [0], [0], [1], [0, 0, 1, 1], [], []>, transpose_lhs_hint = false} : vector<1000x128xf32>, vector<128x128xf32>, vector<1000x128xf32> -> vector<1000x128xf32>
    %get3A_65 = arith.constant 0 : index
    %get3A_66 = arith.constant 0 : index
    %get3A_67 = vector.load %arg10[%get3A_65, %get3A_66] : memref<1x128xf32, #tpu.memory_space<vmem>>, vector<1x128xf32>
    %add3A_68 = vector.broadcast %get3A_67 : vector<1x128xf32> to vector<1000x128xf32>
    %add3A_69 = arith.addf %dot_general3A_64, %add3A_68 : vector<1000x128xf32>
    %get3A_70 = arith.constant 0 : index
    %get3A_71 = arith.constant 0 : index
    %get3A_72 = vector.load %arg8[%get3A_70, %get3A_71] : memref<1000x128xf32, #tpu.memory_space<vmem>>, vector<1000x128xf32>
    %add3A_73 = arith.addf %add3A_69, %get3A_72 : vector<1000x128xf32>
    %reduce_sum3A = arith.constant dense<0.000000e+00> : vector<1000xf32>
    %reduce_sum3A_74 = vector.multi_reduction <add>, %add3A_73, %reduce_sum3A [1] : vector<1000x128xf32> to vector<1000xf32>
    %broadcast_in_dim3A = vector.shape_cast %reduce_sum3A_74 : vector<1000xf32> to vector<1000x1xf32>
    %div3A_75 = arith.constant 1.280000e+02 : f32
    %div3A_76 = vector.broadcast %div3A_75 : f32 to vector<1000x1xf32>
    %div3A_77 = arith.divf %broadcast_in_dim3A, %div3A_76 : vector<1000x1xf32>
    %sub3A = vector.broadcast %div3A_77 : vector<1000x1xf32> to vector<1000x128xf32>
    %sub3A_78 = arith.subf %add3A_73, %sub3A : vector<1000x128xf32>
    %square3A = arith.mulf %sub3A_78, %sub3A_78 : vector<1000x128xf32>
    %reduce_sum3A_79 = arith.constant dense<0.000000e+00> : vector<1000xf32>
    %reduce_sum3A_80 = vector.multi_reduction <add>, %square3A, %reduce_sum3A_79 [1] : vector<1000x128xf32> to vector<1000xf32>
    %broadcast_in_dim3A_81 = vector.shape_cast %reduce_sum3A_80 : vector<1000xf32> to vector<1000x1xf32>
    %div3A_82 = arith.constant 1.280000e+02 : f32
    %div3A_83 = vector.broadcast %div3A_82 : f32 to vector<1000x1xf32>
    %div3A_84 = arith.divf %broadcast_in_dim3A_81, %div3A_83 : vector<1000x1xf32>
    %sub3A_85 = vector.broadcast %div3A_77 : vector<1000x1xf32> to vector<1000x128xf32>
    %sub3A_86 = arith.subf %add3A_73, %sub3A_85 : vector<1000x128xf32>
    %add3A_87 = arith.constant 9.99999974E-6 : f32
    %add3A_88 = vector.broadcast %add3A_87 : f32 to vector<1000x1xf32>
    %add3A_89 = arith.addf %div3A_84, %add3A_88 : vector<1000x1xf32>
    %rsqrt3A = math.rsqrt %add3A_89 : vector<1000x1xf32>
    %mul3A = vector.broadcast %rsqrt3A : vector<1000x1xf32> to vector<1000x128xf32>
    %mul3A_90 = arith.mulf %sub3A_86, %mul3A : vector<1000x128xf32>
    %get3A_91 = arith.constant 0 : index
    %get3A_92 = arith.constant 0 : index
    %get3A_93 = vector.load %arg11[%get3A_91, %get3A_92] : memref<1x128xf32, #tpu.memory_space<vmem>>, vector<1x128xf32>
    %mul3A_94 = vector.broadcast %get3A_93 : vector<1x128xf32> to vector<1000x128xf32>
    %mul3A_95 = arith.mulf %mul3A_90, %mul3A_94 : vector<1000x128xf32>
    %get3A_96 = arith.constant 0 : index
    %get3A_97 = arith.constant 0 : index
    %get3A_98 = vector.load %arg12[%get3A_96, %get3A_97] : memref<1x128xf32, #tpu.memory_space<vmem>>, vector<1x128xf32>
    %add3A_99 = vector.broadcast %get3A_98 : vector<1x128xf32> to vector<1000x128xf32>
    %add3A_100 = arith.addf %mul3A_95, %add3A_99 : vector<1000x128xf32>
    %swap3A = arith.constant 0 : index
    %swap3A_101 = arith.constant 0 : index
    %swap3A_102 = vector.load %arg13[%swap3A, %swap3A_101] : memref<1000x128xf32, #tpu.memory_space<vmem>>, vector<1000x128xf32>
    tpu.vector_store %arg13[%swap3A, %swap3A_101], %add3A_100 {strides = array<i32>} : memref<1000x128xf32, #tpu.memory_space<vmem>>, vector<1000x128xf32>,
    return
  }
  func.func @transform_0(%arg0: i32) -> (i32, i32) {
    %c0_i32 = arith.constant 0 : i32
    %c0_i32_0 = arith.constant 0 : i32
    return %arg0, %c0_i32 : i32, i32
  }
  func.func @transform_1(%arg0: i32) -> (i32, i32) {
    %c0_i32 = arith.constant 0 : i32
    %c0_i32_0 = arith.constant 0 : i32
    return %arg0, %c0_i32 : i32, i32
  }
  func.func @transform_2(%arg0: i32) -> (i32, i32) {
    %c0_i32 = arith.constant 0 : i32
    %c0_i32_0 = arith.constant 0 : i32
    return %arg0, %c0_i32 : i32, i32
  }
  func.func @transform_3(%arg0: i32) -> (i32, i32) {
    %c0_i32 = arith.constant 0 : i32
    %c0_i32_0 = arith.constant 0 : i32
    return %arg0, %c0_i32 : i32, i32
  }
  func.func @transform_4(%arg0: i32) -> (i32, i32) {
    %c0_i32 = arith.constant 0 : i32
    %c0_i32_0 = arith.constant 0 : i32
    return %arg0, %c0_i32 : i32, i32
  }
  func.func @transform_5(%arg0: i32) -> (i32, i32) {
    %c0_i32 = arith.constant 0 : i32
    %c0_i32_0 = arith.constant 0 : i32
    return %arg0, %c0_i32 : i32, i32
  }
  func.func @transform_6(%arg0: i32) -> (i32, i32) {
    %c0_i32 = arith.constant 0 : i32
    %c0_i32_0 = arith.constant 0 : i32
    return %arg0, %c0_i32 : i32, i32
  }
  func.func @transform_7(%arg0: i32) -> (i32, i32) {
    %c0_i32 = arith.constant 0 : i32
    %c0_i32_0 = arith.constant 0 : i32
    return %arg0, %c0_i32 : i32, i32
  }
  func.func @transform_8(%arg0: i32) -> (i32, i32) {
    %c0_i32 = arith.constant 0 : i32
    %c0_i32_0 = arith.constant 0 : i32
    %c0_i32_1 = arith.constant 0 : i32
    return %c0_i32, %c0_i32_0 : i32, i32
  }
  func.func @transform_9(%arg0: i32) -> (i32, i32) {
    %c0_i32 = arith.constant 0 : i32
    %c0_i32_0 = arith.constant 0 : i32
    %c0_i32_1 = arith.constant 0 : i32
    return %c0_i32, %c0_i32_0 : i32, i32
  }
  func.func @transform_10(%arg0: i32) -> (i32, i32) {
    %c0_i32 = arith.constant 0 : i32
    %c0_i32_0 = arith.constant 0 : i32
    %c0_i32_1 = arith.constant 0 : i32
    return %c0_i32, %c0_i32_0 : i32, i32
  }
  func.func @transform_11(%arg0: i32) -> (i32, i32) {
    %c0_i32 = arith.constant 0 : i32
    %c0_i32_0 = arith.constant 0 : i32
    %c0_i32_1 = arith.constant 0 : i32
    return %c0_i32, %c0_i32_0 : i32, i32
  }
  func.func @transform_12(%arg0: i32) -> (i32, i32) {
    %c0_i32 = arith.constant 0 : i32
    %c0_i32_0 = arith.constant 0 : i32
    return %arg0, %c0_i32 : i32, i32
  }
}

</mosaic_0001>

<sc_bundles>
// kernel: kernel.5.cloned.1.call-start
scs
__scs_entry_jumppad:
0x0: {  	(pc) =	sbr.rel $0x88, $3  }
0x1: {  	(tag) =	ssettag $0x0;
	lr =	simm.s32 $0x1  }
0x2: {  	[smem:$0x3F93] =	sst lr;
	_ =	strace $0xD0000000  }
0x3: {  	_ = 	snop  }
0x4: {  	_ = 	snop  }
0x5: {  	_ = 	snop  }
0x6: {  	_ = 	snop  }
0x7: {  	_ = 	snop  }
__scs_overlays_trampoline_lowered:
0x8: {  	[smem:$0x3FA2] =	sst s0  }
0x9: {  	[smem:$0x3FA3] =	sst s1  }
0xa: {  	[smem:$0x3FA4] =	sst s2  }
0xb: {  	[smem:$0x3FA5] =	sst s3  }
0xc: {  	[smem:$0x3FA6] =	sst s4  }
0xd: {  	[smem:$0x3FA7] =	sst s5  }
0xe: {  	[smem:$0x3FA8] =	sst s6  }
0xf: {  	[smem:$0x3FA9] =	sst s7  }
0x10: {  	[smem:$0x3FAA] =	sst s8  }
0x11: {  	[smem:$0x3FAB] =	sst s9;
	s0 =	simm.s32 @!p0 $0x0  }
0x12: {  	s1 =	sld [smem:$0x3F91];
	s0 =	simm.s32 @p0 $0x1  }
0x13: {  	[smem:$0x3FAC] =	sst s0;
	s0 =	simm.s32 @!p1 $0x0  }
0x14: {  	s2 =	sld [smem:$0x3F90];
	s0 =	simm.s32 @p1 $0x1  }
0x15: {  	[smem:$0x3FAD] =	sst s0;
	s0 =	simm.s32 @!p2 $0x0  }
0x16: {  	s3 =	sld [smem:$0x3FDB];
	s0 =	simm.s32 @p2 $0x1  }
0x17: {  	s4 =	simm.s32 $0x1BF5;
	[smem:$0x3FAF] =	sst s0  }
0x18: {  	s0 =	sld [smem:$0x3F92];
	_ =	swait.ge [sflag:s4], $0x0  }
0x19: {  	s7 =	sld [smem:$0x3F93]  }
0x1a: {  	s8 =	sadd.s32 $0xFFFFE003, lr  }
0x1b: {  	s9 =	sadd.s32 $0xFFFFFEF7, lr;
	s5 =	simm.s32 $0xFFFFFFFF;
	p2 =	slt.u32 s8, $0xFFFFF086  }
0x1c: {  	p1 =	slt.u32 s9, $0xF7A;
	s5 =	simm.s32 @!p2 $0x0  }
0x1d: {  	s5 =	simm.s32 @p1 $0x1;
	p0 =	seq.s32 s7, s2  }
0x1e: {  	s7 =	smul.u32 @!p0 $0xF7A, s2;
	p2 =	seq.s32 @!p0 s5, $0x0  }
0x1f: {  	s9 =	smul.u32 $0xF7A, s1;
	s8 =	simm.s32 @!p0 $0x1BF5;
	p2 =	por !p2, p0  }
0x20: {  	[sflag:s8] =	ssyncset.s32 @!p0 $0xFFFFF086;
	s6 =	sadd.s32 @!p0 s3, s7;
	s7 =	simm.s32 @!p0 $0x108  }
0x21: {  	s3 =	sadd.s32 s3, s9;
	s6 =	sadd.s32 @!p0 $0x88, s6;
	s7 =	simm.s32 @p2 $0x1082  }
0x22: {  	[simem:s7], [sflag:s8] =	dma.local @!p0 [hbm:s6], $0xF7A  }
0x23: {  	s9 =	sor.u32 $0xD0000000, s2;
	s6 =	simm.s32 $0x108;
	_ =	swait.ge @!p0 [sflag:s8], $0x0  }
0x24: {  	s3 =	sadd.s32 $0x88, s3;
	s6 =	simm.s32 @!p1 $0x1082;
	[sflag:s4] =	ssyncset.s32 $0xFFFFF086  }
0x25: {  	[simem:s6], [sflag:s4] =	dma.local [hbm:s3], $0xF7A  }
0x26: {  	[smem:$0x3F93] =	sst s1;
	(tag) =	ssettag s2;
	_ =	strace s9  }
0x27: {  	s1 =	sld [smem:$0x3FA3]  }
0x28: {  	s2 =	sld [smem:$0x3FA4]  }
0x29: {  	s4 =	sld [smem:$0x3FA6]  }
0x2a: {  	p0 =	seq.s32 s5, $0x0;
	s5 =	sld [smem:$0x3FA7]  }
0x2b: {  	s6 =	sld [smem:$0x3FA8]  }
0x2c: {  	s7 =	sld [smem:$0x3FA9]  }
0x2d: {  	s3 =	simm.s32 $0x108;
	s8 =	sld [smem:$0x3FAA]  }
0x2e: {  	s3 =	simm.s32 @!p0 $0x1082;
	s9 =	sld [smem:$0x3FAB]  }
0x2f: {  	lr =	sadd.s32 s0, s3;
	s0 =	sld [smem:$0x3FA2]  }
0x30: {  	s3 =	sld [smem:$0x3FA5]  }
0x31: {  	[smem:$0x3FAE] =	sst s10  }
0x32: {  	s10 =	sld [smem:$0x3FAC];
	_ =	sdelay $0x3  }
0x33: {  	p0 =	seq.s32 s10, $0x1;
	s10 =	sld [smem:$0x3FAE];
	_ =	sdelay $0x3  }
0x34: {  	[smem:$0x3FAE] =	sst s10  }
0x35: {  	s10 =	sld [smem:$0x3FAD];
	_ =	sdelay $0x3  }
0x36: {  	p1 =	seq.s32 s10, $0x1;
	s10 =	sld [smem:$0x3FAE];
	_ =	sdelay $0x3  }
0x37: {  	[smem:$0x3FAE] =	sst s10  }
0x38: {  	s10 =	sld [smem:$0x3FAF]  }
0x39: {  	_ = 	snop;
	(pc) =	sbr.ind lr, $3  }
0x3a: {  	_ = 	snop  }
0x3b: {  	_ = 	snop  }
0x3c: {  	p2 =	seq.s32 s10, $0x1;
	s10 =	sld [smem:$0x3FAE]  }
0x3d: {  	_ =	shalt  }
0x3e: {  	_ =	shalt  }
0x3f: {  	_ =	shalt  }
0x40: {  	_ =	shalt  }
0x41: {  	_ =	shalt  }
0x42: {  	_ =	shalt  }
0x43: {  	_ =	shalt  }
0x44: {  	_ =	shalt  }
0x45: {  	_ =	shalt  }
0x46: {  	_ =	shalt  }
0x47: {  	_ =	shalt  }
0x48: {  	_ =	shalt  }
0x49: {  	_ =	shalt  }
0x4a: {  	_ =	shalt  }
0x4b: {  	_ =	shalt  }
0x4c: {  	_ =	shalt  }
0x4d: {  	_ =	shalt  }
0x4e: {  	_ =	shalt  }
0x4f: {  	_ =	shalt  }
0x50: {  	_ =	shalt  }
0x51: {  	_ =	shalt  }
0x52: {  	_ =	shalt  }
0x53: {  	_ =	shalt  }
0x54: {  	_ =	shalt  }
0x55: {  	_ =	shalt  }
0x56: {  	_ =	shalt  }
0x57: {  	_ =	shalt  }
0x58: {  	_ =	shalt  }
0x59: {  	_ =	shalt  }
0x5a: {  	_ =	shalt  }
0x5b: {  	_ =	shalt  }
0x5c: {  	_ =	shalt  }
0x5d: {  	_ =	shalt  }
0x5e: {  	_ =	shalt  }
0x5f: {  	_ =	shalt  }
0x60: {  	_ =	shalt  }
0x61: {  	_ =	shalt  }
0x62: {  	_ =	shalt  }
0x63: {  	_ =	shalt  }
0x64: {  	_ =	shalt  }
0x65: {  	_ =	shalt  }
0x66: {  	_ =	shalt  }
0x67: {  	_ =	shalt  }
0x68: {  	_ =	shalt  }
0x69: {  	_ =	shalt  }
0x6a: {  	_ =	shalt  }
0x6b: {  	_ =	shalt  }
0x6c: {  	_ =	shalt  }
0x6d: {  	_ =	shalt  }
0x6e: {  	_ =	shalt  }
0x6f: {  	_ =	shalt  }
0x70: {  	_ =	shalt  }
0x71: {  	_ =	shalt  }
0x72: {  	_ =	shalt  }
0x73: {  	_ =	shalt  }
0x74: {  	_ =	shalt  }
0x75: {  	_ =	shalt  }
0x76: {  	_ =	shalt  }
0x77: {  	_ =	shalt  }
0x78: {  	_ =	shalt  }
0x79: {  	_ =	shalt  }
0x7a: {  	_ =	shalt  }
0x7b: {  	_ =	shalt  }
0x7c: {  	_ =	shalt  }
0x7d: {  	_ =	shalt  }
0x7e: {  	_ =	shalt  }
0x7f: {  	_ =	shalt  }
0x80: {  	_ =	shalt  }
0x81: {  	_ =	shalt  }
0x82: {  	_ =	shalt  }
0x83: {  	_ =	shalt  }
0x84: {  	_ =	shalt  }
0x85: {  	_ =	shalt  }
0x86: {  	_ =	shalt  }
0x87: {  	_ =	shalt  }
.Lfunc_end0:
.L_simem_size_0:
called_computation_lowered:
.L_overlay_start_0:
0x88: {  	s2 =	sld [smem:$0x3FD9]  }
0x89: {  	s3 =	sld [smem:$0x3FFE];
	_ =	sdelay $0x1  }
0x8a: {  	s1 =	srdreg.scid  }
0x8b: {  	s0 =	sand.u32 $0x1, s1  }
0x8c: {  	s17 =	sshll.u32 s0, $0xA;
	s2 =	sadd.s32 s3, s2  }
0x8d: {  	s2 =	sadd.s32 s2, s17  }
0x8e: {  	[smem:$0x3FBA] =	sst s2  }
0x8f: {  	_ = 	snop  }
0x90: {  	s2 =	sld [smem:$0x3FD0];
	(tm) =	ssettm $0x1  }
0x91: {  	s18 =	sld [smem:$0x3FFB];
	_ =	sdelay $0x3  }
0x92: {  	_ =	strace s18  }
0x93: {  	s3 =	sld [smem:$0x3FFC];
	_ =	sdelay $0x3  }
0x94: {  	_ =	strace s3  }
0x95: {  	s3 =	sld [smem:$0x3FFD];
	_ =	sdelay $0x3  }
0x96: {  	_ =	strace s3  }
0x97: {  	_ =	strace $0x8FFFFFFF  }
0x98: {  	s19 =	sld [smem:$0x3FDB];
	_ =	sdelay $0x1  }
0x99: {  	s4 =	simm.s32 $_scs_section_size  }
0x9a: {  	s5 =	simm.s32 $_size__tile_overlayer_lowered;
	s6 =	simm.s32 $_tile_overlayer_lowered  }
0x9b: {  	s22 =	simm.s32 $0x1BFF;
	s21 =	sshll.u32 s6, $0x1;
	s3 =	sadd.s32 s4, s19  }
0x9c: {  	s7 =	simm.s32 $0x0;
	s20 =	sshll.u32 s5, $0x1;
	s5 =	sadd.s32 s21, s3  }
0x9d: {  	[timem:s7], [sflag:s22] =	dma.local [hbm:s5], s20  }
0x9e: {  	_ =	swait.ge [sflag:s22], s20  }
0x9f: {  	s4 =	ssub.s32 $0x0, s20;
	[sflag:s22] =	ssyncset.done $0x0  }
0xa0: {  	[sflag:s22] =	ssyncadd.s32 s4;
	_ =	sdelay $0x1  }
0xa1: {  	s23 =	simm.s32 $0x1B8B  }
0xa2: {  	_ =	swait.ge [sflag:s23], $0x1  }
0xa3: {  	[sflag:s23] =	ssyncset.done $0x0  }
0xa4: {  	s25 =	simm.s32 $0x1B8E;
	s24 =	sld [smem:$0x3FFE];
	[sflag:s23] =	ssyncadd.s32 $0xFFFFFFFF  }
0xa5: {  	s26 =	simm.s32 $execute0_lowered;
	[smem:$0x3FD2] =	sst s25  }
0xa6: {  	s5 =	sshll.u32 s26, $0x1;
	_ =	strace $0x80000046;
	[dreg:$0x1] =	wrdreg $0xFFFFFFFF  }
0xa7: {  	s28 =	simm.s32 $_size_execute0_lowered;
	s3 =	sadd.s32 s3, s5;
	[dreg:$0x0] =	wrdreg $0x0  }
0xa8: {  	s5 =	sshll.u32 s28, $0x1;
	[dreg:$0x2] =	wrdreg s3  }
0xa9: {  	[dreg:$0x3] =	wrdreg s5  }
0xaa: {  	[dreg:$0x4] =	wrdreg $0xC0  }
0xab: {  	_ =	task [dreg:s7], $0x5FFFF  }
0xac: {  	[dreg:$0x1] =	wrdreg $0xFFFFFFFF  }
0xad: {  	[dreg:$0x0] =	wrdreg $0x60  }
0xae: {  	[dreg:$0x2] =	wrdreg s2  }
0xaf: {  	[dreg:$0x3] =	wrdreg s24  }
0xb0: {  	[dreg:$0x4] =	wrdreg $0x55A00  }
0xb1: {  	[dreg:$0x5] =	wrdreg $0xF5A00  }
0xb2: {  	[dreg:$0x6] =	wrdreg $0x9  }
0xb3: {  	_ =	task.clear_ibuf [dreg:s7], $0x7FFFF;
	_ =	strace $0x90000046  }
0xb4: {  	s29 =	simm.s32 $0x9;
	_ =	strace $0x80000048  }
0xb5: {  	_ =	swait.ge [sflag:s29], $0x1  }
0xb6: {  	[sflag:s29] =	ssyncadd.s32 $0xFFFFFFFF  }
0xb7: {  	_ =	strace $0x90000048  }
0xb8: {  	_ =	sfence  }
0xb9: {  	s30 =	sld [smem:$0x0];
	_ =	sdelay $0x2  }
0xba: {  	s31 =	sshll.u32 s1, $0xD;
	s1 =	sshrl.u32 s1, $0x2  }
0xbb: {  	s3 =	sand.u32 $0x4000, s31;
	s1 =	sadd.s32 s1, s30  }
0xbc: {  	s0 =	sor.u32 s3, s0;
	s1 =	sshll.u32 s1, $0x11  }
0xbd: {  	s0 =	sor.u32 s1, s0  }
0xbe: {  	s0 =	sadd.s32 $0x8F2B, s0  }
0xbf: {  	[sflag:s0] =	ssyncadd.remote.s32 $0x1  }
0xc0: {  	_ =	sfence.sel $0xFFFF  }
0xc1: {  	[dreg:$0x0] =	wrdreg $0xFFFFFFFF;
	(pc) =	sbr.abs _section_cstart, $3  }
0xc2: {  	[dreg:$0x1] =	wrdreg $0xFFFFFFFF  }
0xc3: {  	_ =	task.clear_ibuf [dreg:s7], $0x2FFFF;
	_ =	strace $0x9FFFFFFF  }
0xc4: {  	(tm) =	ssettm $0x7FFFFFFF  }
0xc5: {  	_ =	shalt  }
tec
execute0_lowered:
.L_overlay_start_1:
0x0: {  	(tag) =	ssettag $0x1  }
0x1: {  	s1 =	rddreg [dreg:$0x0]  }
0x2: {  	s2 =	rddreg [dreg:$0x1]  }
0x3: {  	s3 =	rddreg [dreg:$0x2]  }
0x4: {  	s4 =	rddreg [dreg:$0x3]  }
0x5: {  	s0 =	srdreg.scid;
	s20 =	stileid.u32;
	s5 =	simm.s32 $0x0  }
0x6: {  	s30 =	simm.s32 $0x14A0;
	s31 =	simm.s32 $0x28A0;
	s13 =	sand.u32 $0x1, s0  }
0x7: {  	s15 =	smul.u32 $0x280, s20;
	[smem:$0x7FF] =	sst s5;
	s6 =	sadd.s32 $0xFFA00, s2  }
0x8: {  	s7 =	sadd.s32 $0xEC000, s2;
	s8 =	sadd.s32 $0xD8600, s2;
	s9 =	sadd.s32 $0xC4C00, s2  }
0x9: {  	s10 =	sadd.s32 $0xB1200, s2;
	s11 =	sadd.s32 $0xB000, s2;
	s17 =	smul.u32 $0x28000, s20  }
0xa: {  	s12 =	sadd.s32 $0x1200, s2;
	s19 =	sshll.u32 s20, $0x1;
	s20 =	smul.u32 $0xA000, s20  }
0xb: {  	s0 =	smul.u32 $0x2800, s13;
	_ =	strace $0x80000047;
	s16 =	ssub.s32 $0x2, s13  }
0xc: {  	s18 =	sshrl.u32 s16, $0x1;
	s21 =	sshrl.u32 s20, $0x2;
	s22 =	sor.u32 $0x50, s15  }
0xd: {  	s25 =	sadd.s32 $0xA0, s15;
	s20 =	sadd.s32 $0x140, s15;
	s14 =	sadd.s32 s15, s0  }
0xe: {  	s21 =	sadd.s32 s21, s4;
	s23 =	sshll.u32 s22, $0x6;
	s24 =	sshll.u32 s22, $0x4  }
0xf: {  	s26 =	sshll.u32 s25, $0x6;
	s22 =	sshll.u32 s20, $0x6;
	s0 =	sshll.u32 s14, $0x3  }
0x10: {  	s14 =	sshll.u32 s14, $0x1;
	s23 =	sadd.s32 s23, s3;
	[dreg:$0x5] =	wrdreg s21  }
0x11: {  	s0 =	sadd.s32 s0, s2;
	s2 =	sadd.s32 s14, s2;
	s14 =	ssub.s32 s16, s18  }
0x12: {  	s16 =	sor.u32 s13, s19;
	s19 =	sshrl.u32 s17, $0x2;
	s17 =	sadd.s32 s24, s4  }
0x13: {  	s18 =	sshll.u32 s25, $0x4;
	s25 =	sadd.s32 s26, s3;
	s24 =	sshll.u32 s20, $0x4  }
0x14: {  	s26 =	sadd.s32 $0x190, s15;
	s13 =	sadd.s32 s19, s3;
	[dreg:$0x6] =	wrdreg s17  }
0x15: {  	s28 =	sadd.s32 s18, s4;
	s18 =	sadd.s32 $0xF0, s15;
	s29 =	smul.u32 $0x2710, s16  }
0x16: {  	[dreg:$0x8] =	wrdreg s28;
	s19 =	sshll.u32 s18, $0x6;
	s17 =	sshll.u32 s18, $0x4  }
0x17: {  	s28 =	sshll.u32 s26, $0x6;
	[dreg:$0x7] =	wrdreg s13;
	s18 =	sadd.s32 s19, s3  }
0x18: {  	s17 =	sadd.s32 s17, s4;
	s19 =	sadd.s32 $0x1E0, s15;
	[dreg:$0x9] =	wrdreg s18  }
0x19: {  	v0 =	vimm.s32 $0xFEDCBA98;
	v1 =	vimm.s32 $0x76543210;
	s15 =	sadd.s32 $0x230, s15;
	[dreg:$0xa] =	wrdreg s17;
	s17 =	sadd.s32 s22, s3  }
0x1a: {  	v2 =	vimm.s32 $0x3210FEDC;
	v3 =	vimm.s32 $0xBA987654;
	s18 =	sshll.u32 s26, $0x4;
	s26 =	sadd.s32 $0x113400, s2;
	[dreg:$0xb] =	wrdreg s17  }
0x1b: {  	v4 =	vimm.s32 $0x10FEDCBA;
	v5 =	vimm.s32 $0x98765432;
	v6 =	vimm.s32 $0xFEDCBA9;
	s22 =	sshll.u32 s15, $0x6;
	s17 =	sadd.s32 s24, s4;
	[dreg:$0x15] =	wrdreg s26  }
0x1c: {  	v7 =	vimm.s32 $0x87654321;
	vm0 =	vcmask $0x3F08;
	vm1 =	vmmov $0x1;
	s15 =	sshll.u32 s15, $0x4;
	s18 =	sadd.s32 s18, s4;
	[dreg:$0xc] =	wrdreg s17  }
0x1d: {  	v0 =	vunpack.c.l.s4.s8 v0;
	v1 =	vunpack.c.l.s4.s8 v1;
	v2 =	vunpack.c.l.s4.s8 v2;
	s16 =	simm.s32 $0x3;
	s15 =	sadd.s32 s15, s4;
	[dreg:$0xe] =	wrdreg s18  }
0x1e: {  	v3 =	vunpack.c.l.s4.s8 v3;
	v4 =	vunpack.c.l.s4.s8 v4;
	v5 =	vunpack.c.l.s4.s8 v5;
	s20 =	sshll.u32 s19, $0x6;
	s24 =	sadd.s32 $0x11D400, s0;
	[dreg:$0x12] =	wrdreg s15  }
0x1f: {  	v6 =	vunpack.c.l.s4.s8 v6;
	v7 =	vunpack.c.l.s4.s8 v7;
	v0 =	vunpack.c.0.s8.s32 v0;
	s2 =	simm.s32 $0x2;
	s0 =	sadd.s32 $0x145400, s0;
	[dreg:$0x13] =	wrdreg s24  }
0x20: {  	v2 =	vunpack.c.0.s8.s32 v2;
	v3 =	vunpack.c.0.s8.s32 v3;
	v4 =	vunpack.c.0.s8.s32 v4;
	s26 =	simm.s32 $0xA0;
	s17 =	sadd.s32 s28, s3;
	[dreg:$0x14] =	wrdreg s0  }
0x21: {  	v5 =	vunpack.c.0.s8.s32 v5;
	v6 =	vunpack.c.0.s8.s32 v6;
	v7 =	vunpack.c.0.s8.s32 v7;
	s18 =	sadd.s32 s20, s3;
	s28 =	smax.u32 s14, $0x1;
	[dreg:$0xd] =	wrdreg s17  }
0x22: {  	vm2 =	vcmask $0x710;
	v1 =	vunpack.c.0.s8.s32 v1;
	v2 =	vcombine.low v3, v2;
	s20 =	simm.s32 $0x4;
	s17 =	sshll.u32 s19, $0x4;
	[dreg:$0xf] =	wrdreg s18  }
0x23: {  	v3 =	vcombine.low v5, v4;
	v4 =	vand.u32 $0xF, v0;
	v5 =	vcombine.low v7, v6;
	s24 =	simm.s32 $0x50;
	[dreg:$0x16] =	wrdreg s28;
	s17 =	sadd.s32 s17, s4  }
0x24: {  	vm3 =	vcmask $0x70C;
	v0 =	vimm.f32 $0.0e+00;
	v1 =	vcombine.low v4, v1;
	s0 =	simm.s32 $0x1;
	[dreg:$0x10] =	wrdreg s17;
	s17 =	sadd.s32 s22, s3  }
0x25: {  	v2 =	vand.u32 $0xF, v2;
	v3 =	vand.u32 $0xF, v3;
	v4 =	vand.u32 $0xF, v5;
	s18 =	simm.s32 $0x3CA0;
	s22 =	simm.s32 $0x50A0;
	[dreg:$0x11] =	wrdreg s17  }
.LBB2_1:
0x26: {  	s14 =	simm.s32 $0x3CC0  }
0x27: {  	[tilespmem:s14+$0x0] =	vst v0  }
0x28: {  	[tilespmem:s14+$0xFFFFFFE0] =	vst v0  }
0x29: {  	[tilespmem:s14+$0x10] =	vst v0  }
0x2a: {  	s15 =	simm.s32 $0x40;
	s17 =	simm.s32 $0x0;
	[tilespmem:s14+$0xFFFFFFF0] =	vst v0  }
.LBB2_2:
0x2b: {  	p0 =	sne.s32 s15, $0x13C0  }
0x2c: {  	[tilespmem:s17+$0x50A0] =	vst v0;
	s14 =	sadd.s32 $0x40, s14;
	s17 =	smov.u32 s15;
	s15 =	sadd.s32 $0x40, s15  }
.Ltmp0:
0x2d: {  	[tilespmem:s14+$0x0] =	vst v0;
	(pc) =	sbr.rel @p0 .LBB2_2-.Ltmp0, $4  }
0x2e: {  	_ = 	snop  }
0x2f: {  	[tilespmem:s14+$0xFFFFFFE0] =	vst v0  }
0x30: {  	[tilespmem:s14+$0x10] =	vst v0  }
0x31: {  	s17 =	sshra.s32 s17, $0x2;
	[tilespmem:s14+$0xFFFFFFF0] =	vst v0  }
0x32: {  	[tilespmem:s17+$0x50A0] =	vst v0  }
0x33: {  	[spmem:s13] =	stream.linear.scatter [tilespmem:s18], [sflag:$0x4], $0x1400, $0x38;
	[tilespmem:$0x11DA0] =	vst v63  }
0x34: {  	_ =	swait.ge [sflag:s20], $0x1400  }
0x35: {  	[sflag:s20] =	ssyncset.done $0x0  }
0x36: {  	[sflag:s20] =	ssyncadd.s32 $0xFFFFEC00  }
0x37: {  	[spmem:s21] =	stream.linear.scatter [tilespmem:s22], [sflag:$0x4], $0x500, $0x38;
	[tilespmem:$0x11DA0] =	vst v63  }
0x38: {  	_ =	swait.ge [sflag:s20], $0x500  }
0x39: {  	[sflag:s20] =	ssyncset.done $0x0  }
0x3a: {  	[sflag:s20] =	ssyncadd.s32 $0xFFFFFB00  }
0x3b: {  	[spmem:s23] =	stream.linear.scatter [tilespmem:s18], [sflag:$0x4], $0x1400, $0x38;
	[tilespmem:$0x11DA0] =	vst v63  }
0x3c: {  	_ =	swait.ge [sflag:s20], $0x1400  }
0x3d: {  	[sflag:s20] =	ssyncset.done $0x0  }
0x3e: {  	s14 =	rddreg [dreg:$0x6];
	[sflag:s20] =	ssyncadd.s32 $0xFFFFEC00  }
0x3f: {  	[spmem:s14] =	stream.linear.scatter [tilespmem:s22], [sflag:$0x4], $0x500, $0x38;
	[tilespmem:$0x11DA0] =	vst v63  }
0x40: {  	_ =	swait.ge [sflag:s20], $0x500  }
0x41: {  	[sflag:s20] =	ssyncset.done $0x0  }
0x42: {  	[sflag:s20] =	ssyncadd.s32 $0xFFFFFB00  }
0x43: {  	[spmem:s25] =	stream.linear.scatter [tilespmem:s18], [sflag:$0x4], $0x1400, $0x38;
	[tilespmem:$0x11DA0] =	vst v63  }
0x44: {  	_ =	swait.ge [sflag:s20], $0x1400  }
0x45: {  	[sflag:s20] =	ssyncset.done $0x0  }
0x46: {  	s28 =	rddreg [dreg:$0x8];
	[sflag:s20] =	ssyncadd.s32 $0xFFFFEC00  }
0x47: {  	[spmem:s28] =	stream.linear.scatter [tilespmem:s22], [sflag:$0x4], $0x500, $0x38;
	[tilespmem:$0x11DA0] =	vst v63  }
0x48: {  	_ =	swait.ge [sflag:s20], $0x500  }
0x49: {  	[sflag:s20] =	ssyncset.done $0x0  }
0x4a: {  	s15 =	rddreg [dreg:$0x9];
	[sflag:s20] =	ssyncadd.s32 $0xFFFFFB00  }
0x4b: {  	[spmem:s15] =	stream.linear.scatter [tilespmem:s18], [sflag:$0x4], $0x1400, $0x38;
	[tilespmem:$0x11DA0] =	vst v63  }
0x4c: {  	_ =	swait.ge [sflag:s20], $0x1400  }
0x4d: {  	[sflag:s20] =	ssyncset.done $0x0  }
0x4e: {  	s17 =	rddreg [dreg:$0xa];
	[sflag:s20] =	ssyncadd.s32 $0xFFFFEC00  }
0x4f: {  	[spmem:s17] =	stream.linear.scatter [tilespmem:s22], [sflag:$0x4], $0x500, $0x38;
	[tilespmem:$0x11DA0] =	vst v63  }
0x50: {  	_ =	swait.ge [sflag:s20], $0x500  }
0x51: {  	[sflag:s20] =	ssyncset.done $0x0  }
0x52: {  	s19 =	rddreg [dreg:$0xb];
	[sflag:s20] =	ssyncadd.s32 $0xFFFFFB00  }
0x53: {  	[spmem:s19] =	stream.linear.scatter [tilespmem:s18], [sflag:$0x4], $0x1400, $0x38;
	[tilespmem:$0x11DA0] =	vst v63  }
0x54: {  	_ =	swait.ge [sflag:s20], $0x1400  }
0x55: {  	[sflag:s20] =	ssyncset.done $0x0  }
0x56: {  	s21 =	rddreg [dreg:$0xc];
	[sflag:s20] =	ssyncadd.s32 $0xFFFFEC00  }
0x57: {  	[spmem:s21] =	stream.linear.scatter [tilespmem:s22], [sflag:$0x4], $0x500, $0x38;
	[tilespmem:$0x11DA0] =	vst v63  }
0x58: {  	_ =	swait.ge [sflag:s20], $0x500  }
0x59: {  	[sflag:s20] =	ssyncset.done $0x0  }
0x5a: {  	s28 =	rddreg [dreg:$0xd];
	[sflag:s20] =	ssyncadd.s32 $0xFFFFFB00  }
0x5b: {  	[spmem:s28] =	stream.linear.scatter [tilespmem:s18], [sflag:$0x4], $0x1400, $0x38;
	[tilespmem:$0x11DA0] =	vst v63  }
0x5c: {  	_ =	swait.ge [sflag:s20], $0x1400  }
0x5d: {  	[sflag:s20] =	ssyncset.done $0x0  }
0x5e: {  	s15 =	rddreg [dreg:$0xe];
	[sflag:s20] =	ssyncadd.s32 $0xFFFFEC00  }
0x5f: {  	[spmem:s15] =	stream.linear.scatter [tilespmem:s22], [sflag:$0x4], $0x500, $0x38;
	[tilespmem:$0x11DA0] =	vst v63  }
0x60: {  	_ =	swait.ge [sflag:s20], $0x500  }
0x61: {  	[sflag:s20] =	ssyncset.done $0x0  }
0x62: {  	s17 =	rddreg [dreg:$0xf];
	[sflag:s20] =	ssyncadd.s32 $0xFFFFFB00  }
0x63: {  	[spmem:s17] =	stream.linear.scatter [tilespmem:s18], [sflag:$0x4], $0x1400, $0x38;
	[tilespmem:$0x11DA0] =	vst v63  }
0x64: {  	_ =	swait.ge [sflag:s20], $0x1400  }
0x65: {  	[sflag:s20] =	ssyncset.done $0x0  }
0x66: {  	s19 =	rddreg [dreg:$0x10];
	[sflag:s20] =	ssyncadd.s32 $0xFFFFEC00  }
0x67: {  	[spmem:s19] =	stream.linear.scatter [tilespmem:s22], [sflag:$0x4], $0x500, $0x38;
	[tilespmem:$0x11DA0] =	vst v63  }
0x68: {  	_ =	swait.ge [sflag:s20], $0x500  }
0x69: {  	[sflag:s20] =	ssyncset.done $0x0  }
0x6a: {  	s21 =	rddreg [dreg:$0x11];
	[sflag:s20] =	ssyncadd.s32 $0xFFFFFB00  }
0x6b: {  	[spmem:s21] =	stream.linear.scatter [tilespmem:s18], [sflag:$0x4], $0x1400, $0x38;
	[tilespmem:$0x11DA0] =	vst v63  }
0x6c: {  	_ =	swait.ge [sflag:s20], $0x1400  }
0x6d: {  	[sflag:s20] =	ssyncset.done $0x0  }
0x6e: {  	s28 =	rddreg [dreg:$0x12];
	[sflag:s20] =	ssyncadd.s32 $0xFFFFEC00  }
0x6f: {  	[spmem:s28] =	stream.linear.scatter [tilespmem:s22], [sflag:$0x4], $0x500, $0x38;
	[tilespmem:$0x11DA0] =	vst v63  }
0x70: {  	_ =	swait.ge [sflag:s20], $0x500  }
0x71: {  	[sflag:s20] =	ssyncset.done $0x0  }
0x72: {  	[sflag:s20] =	ssyncadd.s32 $0xFFFFFB00  }
0x73: {  	s14 =	simm.s32 $0x0;
	s15 =	simm.s32 $0x0;
	[bflag:$0x0] =	sbarrier.arrive $0xFFFF  }
.LBB2_4:
0x74: {  	s17 =	smul.u32 $0x50, s15;
	_ =	sdelay $0x1  }
0x75: {  	s17 =	sadd.s32 s29, s17  }
0x76: {  	s17 =	sshrl.u32 s17, $0x3  }
0x77: {  	s19 =	sadd.s32 s11, s17  }
0x78: {  	[tilespmem:s14], [sflag:$0x4] =	stream.linear.gather [hbm4b:s19+s14], $0x50, $0x38;
	[tilespmem:$0x11DA0] =	vst v63  }
0x79: {  	_ =	swait.ge [sflag:s20], $0x50  }
0x7a: {  	[sflag:s20] =	ssyncset.done $0x0  }
0x7b: {  	s17 =	sadd.s32 s12, s17;
	[sflag:s20] =	ssyncadd.s32 $0xFFFFFFB0  }
0x7c: {  	[tilespmem:s24], [sflag:$0x4] =	stream.linear.gather [hbm4b:s17+s14], $0x50, $0x38;
	[tilespmem:$0x11DA0] =	vst v63  }
0x7d: {  	_ =	swait.ge [sflag:s20], $0x50  }
0x7e: {  	[sflag:s20] =	ssyncset.done $0x0  }
0x7f: {  	[sflag:s20] =	ssyncadd.s32 $0xFFFFFFB0  }
0x80: {  	[tilespmem:s26], [sflag:$0x1] =	stream.indirect.gather [hbm4b:s1+s24], $0x40, s24, s24, $0xb8;
	[tilespmem:$0x11DA0] =	vst v63  }
0x81: {  	_ = 	snop  }
0x82: {  	[tilespmem:s30], [sflag:$0x2] =	stream.indirect.gather [hbm4b:s7+s24], $0x40, s14, s24, $0xb8;
	[tilespmem:$0x11DA0] =	vst v63  }
0x83: {  	_ = 	snop  }
0x84: {  	[tilespmem:s31], [sflag:$0x3] =	stream.indirect.gather [hbm4b:s9+s24], $0x40, s14, s24, $0xb8;
	[tilespmem:$0x11DA0] =	vst v63  }
0x85: {  	_ =	swait.ge [sflag:s0], $0x1400  }
0x86: {  	[sflag:s0] =	ssyncset.done $0x0  }
0x87: {  	[sflag:s0] =	ssyncadd.s32 $0xFFFFEC00  }
0x88: {  	_ =	swait.ge [sflag:s2], $0x1400  }
0x89: {  	[sflag:s2] =	ssyncset.done $0x0  }
0x8a: {  	[sflag:s2] =	ssyncadd.s32 $0xFFFFEC00  }
0x8b: {  	_ =	swait.ge [sflag:s16], $0x1400  }
0x8c: {  	[sflag:s16] =	ssyncset.done $0x0  }
0x8d: {  	s28 =	simm.s32 $0x0;
	[sflag:s16] =	ssyncadd.s32 $0xFFFFEC00  }
0x8e: {  	v5 =	vld [tilespmem:s28+$0x14B0]  }
0x8f: {  	v6 =	vld [tilespmem:s28+$0xB0]  }
0x90: {  	v7 =	vld [tilespmem:s28+$0x14A0]  }
0x91: {  	v8 =	vld [tilespmem:s28+$0xA0]  }
0x92: {  	v9 =	vld [tilespmem:s28+$0x14D0]  }
0x93: {  	v10 =	vld [tilespmem:s28+$0xD0]  }
0x94: {  	v11 =	vld [tilespmem:s28+$0x14C0]  }
0x95: {  	v12 =	vld [tilespmem:s28+$0xC0];
	_ =	sdelay $0x2  }
0x96: {  	v7 =	vmul.f32 v7, v8;
	v5 =	vmul.f32 v5, v6;
	_ =	sdelay $0x1  }
0x97: {  	v6 =	vmul.f32 v11, v12;
	v5 =	vadd.f32 v5, v7;
	v7 =	vmul.f32 v9, v10;
	_ =	sdelay $0x1  }
0x98: {  	v8 =	vperm.xlane v5, v1;
	v6 =	vadd.f32 v7, v6;
	_ =	sdelay $0x1  }
0x99: {  	v5 =	vadd.f32 v5, v8;
	v7 =	vperm.xlane v6, v1;
	_ =	sdelay $0x1  }
0x9a: {  	v8 =	vperm.xlane v5, v2;
	v6 =	vadd.f32 v6, v7;
	_ =	sdelay $0x1  }
0x9b: {  	v5 =	vadd.f32 v5, v8;
	v7 =	vperm.xlane v6, v2;
	_ =	sdelay $0x1  }
0x9c: {  	v8 =	vperm.xlane v5, v3;
	v6 =	vadd.f32 v6, v7;
	_ =	sdelay $0x1  }
0x9d: {  	v5 =	vadd.f32 v5, v8;
	v7 =	vperm.xlane v6, v3;
	_ =	sdelay $0x1  }
0x9e: {  	v8 =	vperm.xlane v5, v4;
	v6 =	vadd.f32 v6, v7;
	_ =	sdelay $0x1  }
0x9f: {  	v5 =	vadd.f32 v5, v8;
	v7 =	vperm.xlane v6, v4;
	_ =	sdelay $0x1  }
0xa0: {  	v5 =	vmul.f32 $1.442695020e+00, v5;
	v6 =	vadd.f32 v6, v7;
	_ =	sdelay $0x1  }
0xa1: {  	v6 =	vmul.f32 $1.442695020e+00, v6;
	(erf) = vpow2.f32 v5;
	_ =	sdelay $0x1  }
0xa2: {  	(erf) = vpow2.f32 v6;
	_ =	sdelay $0x2  }
0xa3: {  	v5 =	vld [tilespmem:s28+$0x28A0]  }
0xa4: {  	v6 =	vld [tilespmem:s28+$0x28B0]  }
0xa5: {  	v7 =	vld [tilespmem:s28+$0x28C0]  }
0xa6: {  	v8 =	vld [tilespmem:s28+$0x28D0]  }
0xa7: {  	v9 =	vpop (erf)  }
0xa8: {  	v5 =	vmul.f32 v9, v5  }
0xa9: {  	v6 =	vmul.f32 v9, v6;
	v10 =	vpop (erf)  }
0xaa: {  	[tilespmem:s28+$0x3CA0] =	vst v5;
	v5 =	vmul.f32 v10, v7  }
0xab: {  	[tilespmem:s28+$0x3CB0] =	vst v6;
	v6 =	vmul.f32 v10, v8  }
0xac: {  	[tilespmem:s28+$0x3CC0] =	vst v5;
	v5 =	vsel vm0, $0x0, v10  }
0xad: {  	s17 =	simm.s32 $0x50A0;
	[tilespmem:s28+$0x3CD0] =	vst v6;
	v5 =	vsel vm1, v9, v5  }
0xae: {  	s19 =	simm.s32 $0x40;
	[tilespmem:s17+$0x0] =	vst v5  }
0xaf: {  	v5 =	vld [tilespmem:s19+$0x14B0]  }
0xb0: {  	v6 =	vld [tilespmem:s19+$0xB0]  }
0xb1: {  	v9 =	vld [tilespmem:s19+$0x14A0]  }
0xb2: {  	v10 =	vld [tilespmem:s19+$0xA0]  }
0xb3: {  	v7 =	vld [tilespmem:s19+$0x14D0]  }
0xb4: {  	v8 =	vld [tilespmem:s19+$0xD0]  }
0xb5: {  	v11 =	vld [tilespmem:s19+$0x14C0]  }
0xb6: {  	v12 =	vld [tilespmem:s19+$0xC0]  }
0xb7: {  	s21 =	simm.s32 $0x200  }
.LBB2_5:
0xb8: {  	p0 =	sne.s32 s21, $0x4F00  }
0xb9: {  	v9 =	vmul.f32 v9, v10;
	v5 =	vmul.f32 v5, v6;
	_ =	sdelay $0x1  }
0xba: {  	v7 =	vmul.f32 v7, v8;
	v5 =	vadd.f32 v5, v9;
	v6 =	vmul.f32 v11, v12;
	_ =	sdelay $0x1  }
0xbb: {  	v8 =	vperm.xlane v5, v1;
	v6 =	vadd.f32 v7, v6;
	_ =	sdelay $0x1  }
0xbc: {  	v5 =	vadd.f32 v5, v8;
	v7 =	vperm.xlane v6, v1;
	_ =	sdelay $0x1  }
0xbd: {  	v8 =	vperm.xlane v5, v2;
	v6 =	vadd.f32 v6, v7;
	_ =	sdelay $0x1  }
0xbe: {  	v5 =	vadd.f32 v5, v8;
	v7 =	vperm.xlane v6, v2;
	_ =	sdelay $0x1  }
0xbf: {  	v8 =	vperm.xlane v5, v3;
	v6 =	vadd.f32 v6, v7;
	_ =	sdelay $0x1  }
0xc0: {  	v5 =	vadd.f32 v5, v8;
	v7 =	vperm.xlane v6, v3;
	_ =	sdelay $0x1  }
0xc1: {  	v8 =	vperm.xlane v5, v4;
	v6 =	vadd.f32 v6, v7;
	_ =	sdelay $0x1  }
0xc2: {  	v5 =	vadd.f32 v5, v8;
	v7 =	vperm.xlane v6, v4;
	_ =	sdelay $0x1  }
0xc3: {  	v5 =	vmul.f32 $1.442695020e+00, v5;
	v6 =	vadd.f32 v6, v7;
	_ =	sdelay $0x1  }
0xc4: {  	v6 =	vmul.f32 $1.442695020e+00, v6;
	(erf) = vpow2.f32 v5;
	_ =	sdelay $0x1  }
0xc5: {  	(erf) = vpow2.f32 v6;
	_ =	sdelay $0x2  }
0xc6: {  	v5 =	vld [tilespmem:s19+$0x28A0]  }
0xc7: {  	v6 =	vld [tilespmem:s19+$0x28B0]  }
0xc8: {  	v7 =	vld [tilespmem:s19+$0x28C0]  }
0xc9: {  	v8 =	vld [tilespmem:s19+$0x28D0]  }
0xca: {  	v9 =	vpop (erf)  }
0xcb: {  	v5 =	vmul.f32 v9, v5  }
0xcc: {  	v6 =	vmul.f32 v9, v6;
	v10 =	vpop (erf)  }
0xcd: {  	[tilespmem:s19+$0x3CA0] =	vst v5;
	v5 =	vmul.f32 v10, v7  }
0xce: {  	[tilespmem:s19+$0x3CB0] =	vst v6;
	v6 =	vmul.f32 v10, v8  }
0xcf: {  	[tilespmem:s19+$0x3CC0] =	vst v5;
	v5 =	vsel vm0, $0x0, v10  }
0xd0: {  	s17 =	sadd.s32 $0x10, s17;
	[tilespmem:s19+$0x3CD0] =	vst v6;
	v5 =	vsel vm1, v9, v5  }
0xd1: {  	s19 =	sshra.s32 s21, $0x2;
	[tilespmem:s17+$0x0] =	vst v5  }
0xd2: {  	v5 =	vld [tilespmem:s19+$0x14B0]  }
0xd3: {  	v6 =	vld [tilespmem:s19+$0xB0]  }
0xd4: {  	v9 =	vld [tilespmem:s19+$0x14A0]  }
0xd5: {  	v10 =	vld [tilespmem:s19+$0xA0]  }
.Ltmp1:
0xd6: {  	v7 =	vld [tilespmem:s19+$0x14D0];
	(pc) =	sbr.rel @p0 .LBB2_5-.Ltmp1, $4  }
0xd7: {  	v8 =	vld [tilespmem:s19+$0xD0]  }
0xd8: {  	v11 =	vld [tilespmem:s19+$0x14C0]  }
0xd9: {  	v12 =	vld [tilespmem:s19+$0xC0]  }
0xda: {  	s21 =	sadd.s32 $0x100, s21  }
0xdb: {  	_ = 	snop  }
0xdc: {  	v9 =	vmul.f32 v9, v10;
	v5 =	vmul.f32 v5, v6;
	_ =	sdelay $0x1  }
0xdd: {  	v7 =	vmul.f32 v7, v8;
	v5 =	vadd.f32 v5, v9;
	v6 =	vmul.f32 v11, v12;
	_ =	sdelay $0x1  }
0xde: {  	v60 =	vperm.xlane v5, v1;
	v6 =	vadd.f32 v7, v6;
	_ =	sdelay $0x1  }
0xdf: {  	v5 =	vadd.f32 v5, v60;
	v7 =	vperm.xlane v6, v1;
	_ =	sdelay $0x1  }
0xe0: {  	v8 =	vperm.xlane v5, v2;
	v6 =	vadd.f32 v6, v7;
	_ =	sdelay $0x1  }
0xe1: {  	v5 =	vadd.f32 v5, v8;
	v7 =	vperm.xlane v6, v2;
	_ =	sdelay $0x1  }
0xe2: {  	v8 =	vperm.xlane v5, v3;
	v6 =	vadd.f32 v6, v7;
	_ =	sdelay $0x1  }
0xe3: {  	v5 =	vadd.f32 v5, v8;
	v7 =	vperm.xlane v6, v3;
	_ =	sdelay $0x1  }
0xe4: {  	v8 =	vperm.xlane v5, v4;
	v6 =	vadd.f32 v6, v7;
	_ =	sdelay $0x1  }
0xe5: {  	v5 =	vadd.f32 v5, v8;
	v7 =	vperm.xlane v6, v4;
	_ =	sdelay $0x1  }
0xe6: {  	v5 =	vmul.f32 $1.442695020e+00, v5;
	v6 =	vadd.f32 v6, v7;
	_ =	sdelay $0x1  }
0xe7: {  	(erf) = vpow2.f32 v5;
	v6 =	vmul.f32 $1.442695020e+00, v6;
	_ =	sdelay $0x1  }
0xe8: {  	(erf) = vpow2.f32 v6;
	_ =	sdelay $0x2  }
0xe9: {  	v5 =	vld [tilespmem:s19+$0x28A0]  }
0xea: {  	v6 =	vld [tilespmem:s19+$0x28B0]  }
0xeb: {  	v7 =	vld [tilespmem:s19+$0x28C0]  }
0xec: {  	v61 =	vld [tilespmem:s19+$0x28D0]  }
0xed: {  	v62 =	vpop (erf)  }
0xee: {  	v5 =	vmul.f32 v62, v5  }
0xef: {  	v6 =	vmul.f32 v62, v6;
	v63 =	vpop (erf)  }
0xf0: {  	[tilespmem:s19+$0x3CA0] =	vst v5;
	v5 =	vmul.f32 v63, v7  }
0xf1: {  	[tilespmem:s19+$0x3CB0] =	vst v6;
	v6 =	vmul.f32 v63, v61  }
0xf2: {  	[tilespmem:s19+$0x3CC0] =	vst v5;
	v5 =	vsel vm0, $0x0, v63  }
0xf3: {  	s17 =	sadd.s32 $0x10, s17;
	[tilespmem:s19+$0x3CD0] =	vst v6;
	v5 =	vsel vm1, v62, v5  }
0xf4: {  	[tilespmem:s17+$0x0] =	vst v5  }
0xf5: {  	[spmem:s3] =	stream.indirect.scatter.add.f32 [tilespmem:s18], [sflag:$0x4], $0x40, s24, s24, $0xb8;
	[tilespmem:$0x11DA0] =	vst v63  }
0xf6: {  	s15 =	sadd.s32 $0x1, s15;
	_ =	swait.ge [sflag:s20], $0x1400  }
0xf7: {  	p0 =	sne.s32 s15, $0x7D;
	[sflag:s20] =	ssyncset.done $0x0  }
.Ltmp2:
0xf8: {  	[sflag:s20] =	ssyncadd.s32 $0xFFFFEC00;
	(pc) =	sbr.rel @p0 .LBB2_4-.Ltmp2, $4  }
0xf9: {  	[spmem:s4] =	stream.indirect.scatter.add.f32 [tilespmem:s22], [sflag:$0x4], $0x10, s24, s24, $0xb8;
	[tilespmem:$0x11DA0] =	vst v63  }
0xfa: {  	_ =	swait.ge [sflag:s20], $0x500  }
0xfb: {  	[sflag:s20] =	ssyncset.done $0x0  }
0xfc: {  	[sflag:s20] =	ssyncadd.s32 $0xFFFFFB00  }
0xfd: {  	s14 =	stileid.u32  }
0xfe: {  	[bflag:$0x0] =	sbarrier.arrive $0xFFFF;
	s14 =	sshll.u32 s14, $0x6  }
0xff: {  	s15 =	sshrl.u32 s13, $0x3;
	s17 =	rddreg [dreg:$0x13];
	s14 =	sor.u32 $0x1C04, s14  }
0x100: {  	[hbm:s17], [sflag:s14] =	dma.local [spmem:s15], $0x1400  }
0x101: {  	_ =	swait.ge [sflag:s20], $0x1400  }
0x102: {  	[sflag:s20] =	ssyncset.done $0x0  }
0x103: {  	s19 =	simm.s32 $0x100;
	s17 =	simm.s32 $0x0;
	[sflag:s20] =	ssyncadd.s32 $0xFFFFEC00  }
.LBB2_8:
0x104: {  	p0 =	sne.s32 s19, $0x4F00;
	[tilespmem:s17+$0x3CD0] =	vst v0;
	s21 =	smov.u32 s19;
	s19 =	sadd.s32 $0x100, s19  }
.Ltmp3:
0x105: {  	[tilespmem:s17+$0x3CC0] =	vst v0;
	(pc) =	sbr.rel @p0 .LBB2_8-.Ltmp3, $3  }
0x106: {  	[tilespmem:s17+$0x3CA0] =	vst v0  }
0x107: {  	[tilespmem:s17+$0x3CB0] =	vst v0;
	_ =	sdelay $0x1  }
0x108: {  	s17 =	sshra.s32 s21, $0x2  }
0x109: {  	[tilespmem:s17+$0x3CD0] =	vst v0  }
0x10a: {  	[tilespmem:s17+$0x3CC0] =	vst v0  }
0x10b: {  	[tilespmem:s17+$0x3CA0] =	vst v0  }
0x10c: {  	[tilespmem:s17+$0x3CB0] =	vst v0  }
0x10d: {  	[spmem:s13] =	stream.linear.scatter [tilespmem:s18], [sflag:$0x4], $0x1400, $0x38;
	[tilespmem:$0x11DA0] =	vst v63  }
0x10e: {  	_ =	swait.ge [sflag:s20], $0x1400  }
0x10f: {  	[sflag:s20] =	ssyncset.done $0x0  }
0x110: {  	[sflag:s20] =	ssyncadd.s32 $0xFFFFEC00  }
0x111: {  	[spmem:s23] =	stream.linear.scatter [tilespmem:s18], [sflag:$0x4], $0x1400, $0x38;
	[tilespmem:$0x11DA0] =	vst v63  }
0x112: {  	_ =	swait.ge [sflag:s20], $0x1400  }
0x113: {  	[sflag:s20] =	ssyncset.done $0x0  }
0x114: {  	[sflag:s20] =	ssyncadd.s32 $0xFFFFEC00  }
0x115: {  	[spmem:s25] =	stream.linear.scatter [tilespmem:s18], [sflag:$0x4], $0x1400, $0x38;
	[tilespmem:$0x11DA0] =	vst v63  }
0x116: {  	_ =	swait.ge [sflag:s20], $0x1400  }
0x117: {  	[sflag:s20] =	ssyncset.done $0x0  }
0x118: {  	s13 =	smov.u32 s25;
	s25 =	rddreg [dreg:$0x9];
	[sflag:s20] =	ssyncadd.s32 $0xFFFFEC00  }
0x119: {  	[spmem:s25] =	stream.linear.scatter [tilespmem:s18], [sflag:$0x4], $0x1400, $0x38;
	[tilespmem:$0x11DA0] =	vst v63  }
0x11a: {  	_ =	swait.ge [sflag:s20], $0x1400  }
0x11b: {  	[sflag:s20] =	ssyncset.done $0x0  }
0x11c: {  	s19 =	rddreg [dreg:$0xb];
	[sflag:s20] =	ssyncadd.s32 $0xFFFFEC00  }
0x11d: {  	[spmem:s19] =	stream.linear.scatter [tilespmem:s18], [sflag:$0x4], $0x1400, $0x38;
	[tilespmem:$0x11DA0] =	vst v63  }
0x11e: {  	_ =	swait.ge [sflag:s20], $0x1400  }
0x11f: {  	[sflag:s20] =	ssyncset.done $0x0  }
0x120: {  	s21 =	rddreg [dreg:$0xd];
	[sflag:s20] =	ssyncadd.s32 $0xFFFFEC00  }
0x121: {  	[spmem:s21] =	stream.linear.scatter [tilespmem:s18], [sflag:$0x4], $0x1400, $0x38;
	[tilespmem:$0x11DA0] =	vst v63  }
0x122: {  	_ =	swait.ge [sflag:s20], $0x1400  }
0x123: {  	[sflag:s20] =	ssyncset.done $0x0  }
0x124: {  	s28 =	smov.u32 s23;
	s23 =	rddreg [dreg:$0xf];
	[sflag:s20] =	ssyncadd.s32 $0xFFFFEC00  }
0x125: {  	[spmem:s23] =	stream.linear.scatter [tilespmem:s18], [sflag:$0x4], $0x1400, $0x38;
	[tilespmem:$0x11DA0] =	vst v63  }
0x126: {  	_ =	swait.ge [sflag:s20], $0x1400  }
0x127: {  	[sflag:s20] =	ssyncset.done $0x0  }
0x128: {  	s25 =	rddreg [dreg:$0x11];
	[sflag:s20] =	ssyncadd.s32 $0xFFFFEC00  }
0x129: {  	[spmem:s25] =	stream.linear.scatter [tilespmem:s18], [sflag:$0x4], $0x1400, $0x38;
	[tilespmem:$0x11DA0] =	vst v63  }
0x12a: {  	_ =	swait.ge [sflag:s20], $0x1400  }
0x12b: {  	[sflag:s20] =	ssyncset.done $0x0  }
0x12c: {  	[sflag:s20] =	ssyncadd.s32 $0xFFFFEC00  }
0x12d: {  	s17 =	simm.s32 $0x0;
	s19 =	simm.s32 $0x0;
	[bflag:$0x0] =	sbarrier.arrive $0xFFFF  }
.LBB2_10:
0x12e: {  	s21 =	smul.u32 $0x50, s19;
	_ =	sdelay $0x1  }
0x12f: {  	s21 =	sadd.s32 s29, s21  }
0x130: {  	s21 =	sshrl.u32 s21, $0x3  }
0x131: {  	s23 =	sadd.s32 s11, s21  }
0x132: {  	[tilespmem:s17], [sflag:$0x4] =	stream.linear.gather [hbm4b:s23+s17], $0x50, $0x38;
	[tilespmem:$0x11DA0] =	vst v63  }
0x133: {  	_ =	swait.ge [sflag:s20], $0x50  }
0x134: {  	[sflag:s20] =	ssyncset.done $0x0  }
0x135: {  	s21 =	sadd.s32 s12, s21;
	[sflag:s20] =	ssyncadd.s32 $0xFFFFFFB0  }
0x136: {  	[tilespmem:s24], [sflag:$0x4] =	stream.linear.gather [hbm4b:s21+s17], $0x50, $0x38;
	[tilespmem:$0x11DA0] =	vst v63  }
0x137: {  	_ =	swait.ge [sflag:s20], $0x50  }
0x138: {  	[sflag:s20] =	ssyncset.done $0x0  }
0x139: {  	[sflag:s20] =	ssyncadd.s32 $0xFFFFFFB0  }
0x13a: {  	[tilespmem:s26], [sflag:$0x1] =	stream.indirect.gather [hbm4b:s6+s24], $0x40, s24, s24, $0xb8;
	[tilespmem:$0x11DA0] =	vst v63  }
0x13b: {  	_ = 	snop  }
0x13c: {  	[tilespmem:s30], [sflag:$0x2] =	stream.indirect.gather [hbm4b:s8+s24], $0x40, s17, s24, $0xb8;
	[tilespmem:$0x11DA0] =	vst v63  }
0x13d: {  	_ = 	snop  }
0x13e: {  	[tilespmem:s31], [sflag:$0x3] =	stream.indirect.gather [hbm4b:s10+s24], $0x40, s17, s24, $0xb8;
	[tilespmem:$0x11DA0] =	vst v63  }
0x13f: {  	_ =	swait.ge [sflag:s0], $0x1400  }
0x140: {  	[sflag:s0] =	ssyncset.done $0x0  }
0x141: {  	[sflag:s0] =	ssyncadd.s32 $0xFFFFEC00  }
0x142: {  	_ =	swait.ge [sflag:s2], $0x1400  }
0x143: {  	[sflag:s2] =	ssyncset.done $0x0  }
0x144: {  	[sflag:s2] =	ssyncadd.s32 $0xFFFFEC00  }
0x145: {  	_ =	swait.ge [sflag:s16], $0x1400  }
0x146: {  	[sflag:s16] =	ssyncset.done $0x0  }
0x147: {  	s25 =	simm.s32 $0x0;
	[sflag:s16] =	ssyncadd.s32 $0xFFFFEC00  }
0x148: {  	v5 =	vld [tilespmem:s25+$0x14B0]  }
0x149: {  	v6 =	vld [tilespmem:s25+$0xB0]  }
0x14a: {  	v7 =	vld [tilespmem:s25+$0x14A0]  }
0x14b: {  	v8 =	vld [tilespmem:s25+$0xA0]  }
0x14c: {  	v9 =	vld [tilespmem:s25+$0x14D0]  }
0x14d: {  	v10 =	vld [tilespmem:s25+$0xD0]  }
0x14e: {  	v11 =	vld [tilespmem:s25+$0x14C0]  }
0x14f: {  	v12 =	vld [tilespmem:s25+$0xC0];
	_ =	sdelay $0x2  }
0x150: {  	v7 =	vmul.f32 v7, v8;
	v5 =	vmul.f32 v5, v6;
	_ =	sdelay $0x1  }
0x151: {  	v6 =	vmul.f32 v11, v12;
	v5 =	vadd.f32 v5, v7;
	v7 =	vmul.f32 v9, v10;
	_ =	sdelay $0x1  }
0x152: {  	v8 =	vperm.xlane v5, v1;
	v6 =	vadd.f32 v7, v6;
	_ =	sdelay $0x1  }
0x153: {  	v5 =	vadd.f32 v5, v8;
	v7 =	vperm.xlane v6, v1;
	_ =	sdelay $0x1  }
0x154: {  	v8 =	vperm.xlane v5, v2;
	v6 =	vadd.f32 v6, v7;
	_ =	sdelay $0x1  }
0x155: {  	v5 =	vadd.f32 v5, v8;
	v7 =	vperm.xlane v6, v2;
	_ =	sdelay $0x1  }
0x156: {  	v8 =	vperm.xlane v5, v3;
	v6 =	vadd.f32 v6, v7;
	_ =	sdelay $0x1  }
0x157: {  	v5 =	vadd.f32 v5, v8;
	v7 =	vperm.xlane v6, v3;
	_ =	sdelay $0x1  }
0x158: {  	v8 =	vperm.xlane v5, v4;
	v6 =	vadd.f32 v6, v7;
	_ =	sdelay $0x1  }
0x159: {  	v5 =	vadd.f32 v5, v8;
	v7 =	vperm.xlane v6, v4;
	_ =	sdelay $0x1  }
0x15a: {  	v5 =	vmul.f32 $1.442695020e+00, v5;
	v6 =	vadd.f32 v6, v7;
	_ =	sdelay $0x1  }
0x15b: {  	v6 =	vmul.f32 $1.442695020e+00, v6;
	(erf) = vpow2.f32 v5;
	_ =	sdelay $0x1  }
0x15c: {  	(erf) = vpow2.f32 v6;
	_ =	sdelay $0x2  }
0x15d: {  	v5 =	vld [tilespmem:s25+$0x28A0]  }
0x15e: {  	v6 =	vld [tilespmem:s25+$0x28B0]  }
0x15f: {  	v7 =	vld [tilespmem:s25+$0x28C0]  }
0x160: {  	v8 =	vld [tilespmem:s25+$0x28D0]  }
0x161: {  	v9 =	vpop (erf)  }
0x162: {  	v5 =	vmul.f32 v9, v5  }
0x163: {  	v6 =	vmul.f32 v9, v6;
	v10 =	vpop (erf)  }
0x164: {  	[tilespmem:s25+$0x3CA0] =	vst v5;
	v5 =	vmul.f32 v10, v7  }
0x165: {  	[tilespmem:s25+$0x3CB0] =	vst v6;
	v6 =	vmul.f32 v10, v8  }
0x166: {  	[tilespmem:s25+$0x3CC0] =	vst v5;
	v5 =	vsel vm2, $0x0, v10  }
0x167: {  	s21 =	simm.s32 $0x50A0;
	[tilespmem:s25+$0x3CD0] =	vst v6;
	v5 =	vsel vm3, v5, v9  }
0x168: {  	s23 =	simm.s32 $0x40;
	[tilespmem:s21+$0x0] =	vst v5  }
0x169: {  	v5 =	vld [tilespmem:s23+$0x14B0]  }
0x16a: {  	v6 =	vld [tilespmem:s23+$0xB0]  }
0x16b: {  	v9 =	vld [tilespmem:s23+$0x14A0]  }
0x16c: {  	v10 =	vld [tilespmem:s23+$0xA0]  }
0x16d: {  	v7 =	vld [tilespmem:s23+$0x14D0]  }
0x16e: {  	v8 =	vld [tilespmem:s23+$0xD0]  }
0x16f: {  	v11 =	vld [tilespmem:s23+$0x14C0]  }
0x170: {  	v12 =	vld [tilespmem:s23+$0xC0]  }
0x171: {  	s25 =	simm.s32 $0x200  }
.LBB2_11:
0x172: {  	p0 =	sne.s32 s25, $0x4F00  }
0x173: {  	v9 =	vmul.f32 v9, v10;
	v5 =	vmul.f32 v5, v6;
	_ =	sdelay $0x1  }
0x174: {  	v7 =	vmul.f32 v7, v8;
	v5 =	vadd.f32 v5, v9;
	v6 =	vmul.f32 v11, v12;
	_ =	sdelay $0x1  }
0x175: {  	v8 =	vperm.xlane v5, v1;
	v6 =	vadd.f32 v7, v6;
	_ =	sdelay $0x1  }
0x176: {  	v5 =	vadd.f32 v5, v8;
	v7 =	vperm.xlane v6, v1;
	_ =	sdelay $0x1  }
0x177: {  	v8 =	vperm.xlane v5, v2;
	v6 =	vadd.f32 v6, v7;
	_ =	sdelay $0x1  }
0x178: {  	v5 =	vadd.f32 v5, v8;
	v7 =	vperm.xlane v6, v2;
	_ =	sdelay $0x1  }
0x179: {  	v8 =	vperm.xlane v5, v3;
	v6 =	vadd.f32 v6, v7;
	_ =	sdelay $0x1  }
0x17a: {  	v5 =	vadd.f32 v5, v8;
	v7 =	vperm.xlane v6, v3;
	_ =	sdelay $0x1  }
0x17b: {  	v8 =	vperm.xlane v5, v4;
	v6 =	vadd.f32 v6, v7;
	_ =	sdelay $0x1  }
0x17c: {  	v5 =	vadd.f32 v5, v8;
	v7 =	vperm.xlane v6, v4;
	_ =	sdelay $0x1  }
0x17d: {  	v5 =	vmul.f32 $1.442695020e+00, v5;
	v6 =	vadd.f32 v6, v7;
	_ =	sdelay $0x1  }
0x17e: {  	v6 =	vmul.f32 $1.442695020e+00, v6;
	(erf) = vpow2.f32 v5;
	_ =	sdelay $0x1  }
0x17f: {  	(erf) = vpow2.f32 v6;
	_ =	sdelay $0x2  }
0x180: {  	v5 =	vld [tilespmem:s23+$0x28A0]  }
0x181: {  	v6 =	vld [tilespmem:s23+$0x28B0]  }
0x182: {  	v7 =	vld [tilespmem:s23+$0x28C0]  }
0x183: {  	v8 =	vld [tilespmem:s23+$0x28D0]  }
0x184: {  	v9 =	vpop (erf)  }
0x185: {  	v5 =	vmul.f32 v9, v5  }
0x186: {  	v6 =	vmul.f32 v9, v6;
	v10 =	vpop (erf)  }
0x187: {  	[tilespmem:s23+$0x3CA0] =	vst v5;
	v5 =	vmul.f32 v10, v7  }
0x188: {  	[tilespmem:s23+$0x3CB0] =	vst v6;
	v6 =	vmul.f32 v10, v8  }
0x189: {  	[tilespmem:s23+$0x3CC0] =	vst v5;
	v5 =	vsel vm2, $0x0, v10  }
0x18a: {  	s21 =	sadd.s32 $0x10, s21;
	[tilespmem:s23+$0x3CD0] =	vst v6;
	v5 =	vsel vm3, v5, v9  }
0x18b: {  	s23 =	sshra.s32 s25, $0x2;
	[tilespmem:s21+$0x0] =	vst v5  }
0x18c: {  	v5 =	vld [tilespmem:s23+$0x14B0]  }
0x18d: {  	v6 =	vld [tilespmem:s23+$0xB0]  }
0x18e: {  	v9 =	vld [tilespmem:s23+$0x14A0]  }
0x18f: {  	v10 =	vld [tilespmem:s23+$0xA0]  }
.Ltmp4:
0x190: {  	v7 =	vld [tilespmem:s23+$0x14D0];
	(pc) =	sbr.rel @p0 .LBB2_11-.Ltmp4, $4  }
0x191: {  	v8 =	vld [tilespmem:s23+$0xD0]  }
0x192: {  	v11 =	vld [tilespmem:s23+$0x14C0]  }
0x193: {  	v12 =	vld [tilespmem:s23+$0xC0]  }
0x194: {  	s25 =	sadd.s32 $0x100, s25  }
0x195: {  	_ = 	snop  }
0x196: {  	v9 =	vmul.f32 v9, v10;
	v5 =	vmul.f32 v5, v6;
	_ =	sdelay $0x1  }
0x197: {  	v7 =	vmul.f32 v7, v8;
	v5 =	vadd.f32 v5, v9;
	v6 =	vmul.f32 v11, v12;
	_ =	sdelay $0x1  }
0x198: {  	v60 =	vperm.xlane v5, v1;
	v6 =	vadd.f32 v7, v6;
	_ =	sdelay $0x1  }
0x199: {  	v5 =	vadd.f32 v5, v60;
	v7 =	vperm.xlane v6, v1;
	_ =	sdelay $0x1  }
0x19a: {  	v8 =	vperm.xlane v5, v2;
	v6 =	vadd.f32 v6, v7;
	_ =	sdelay $0x1  }
0x19b: {  	v5 =	vadd.f32 v5, v8;
	v7 =	vperm.xlane v6, v2;
	_ =	sdelay $0x1  }
0x19c: {  	v8 =	vperm.xlane v5, v3;
	v6 =	vadd.f32 v6, v7;
	_ =	sdelay $0x1  }
0x19d: {  	v5 =	vadd.f32 v5, v8;
	v7 =	vperm.xlane v6, v3;
	_ =	sdelay $0x1  }
0x19e: {  	v8 =	vperm.xlane v5, v4;
	v6 =	vadd.f32 v6, v7;
	_ =	sdelay $0x1  }
0x19f: {  	v5 =	vadd.f32 v5, v8;
	v7 =	vperm.xlane v6, v4;
	_ =	sdelay $0x1  }
0x1a0: {  	v5 =	vmul.f32 $1.442695020e+00, v5;
	v6 =	vadd.f32 v6, v7;
	_ =	sdelay $0x1  }
0x1a1: {  	(erf) = vpow2.f32 v5;
	v6 =	vmul.f32 $1.442695020e+00, v6;
	_ =	sdelay $0x1  }
0x1a2: {  	(erf) = vpow2.f32 v6;
	_ =	sdelay $0x2  }
0x1a3: {  	v5 =	vld [tilespmem:s23+$0x28A0]  }
0x1a4: {  	v6 =	vld [tilespmem:s23+$0x28B0]  }
0x1a5: {  	v7 =	vld [tilespmem:s23+$0x28C0]  }
0x1a6: {  	v61 =	vld [tilespmem:s23+$0x28D0]  }
0x1a7: {  	v62 =	vpop (erf)  }
0x1a8: {  	v5 =	vmul.f32 v62, v5  }
0x1a9: {  	v6 =	vmul.f32 v62, v6;
	v63 =	vpop (erf)  }
0x1aa: {  	[tilespmem:s23+$0x3CA0] =	vst v5;
	v5 =	vmul.f32 v63, v7  }
0x1ab: {  	[tilespmem:s23+$0x3CB0] =	vst v6;
	v6 =	vmul.f32 v63, v61  }
0x1ac: {  	[tilespmem:s23+$0x3CC0] =	vst v5;
	v5 =	vsel vm2, $0x0, v63  }
0x1ad: {  	s21 =	sadd.s32 $0x10, s21;
	[tilespmem:s23+$0x3CD0] =	vst v6;
	v5 =	vsel vm3, v5, v62  }
0x1ae: {  	[tilespmem:s21+$0x0] =	vst v5  }
0x1af: {  	[spmem:s3] =	stream.indirect.scatter.add.f32 [tilespmem:s18], [sflag:$0x4], $0x40, s24, s24, $0xb8;
	[tilespmem:$0x11DA0] =	vst v63  }
0x1b0: {  	s19 =	sadd.s32 $0x1, s19;
	_ =	swait.ge [sflag:s20], $0x1400  }
0x1b1: {  	p0 =	sne.s32 s19, $0x7D;
	[sflag:s20] =	ssyncset.done $0x0  }
.Ltmp5:
0x1b2: {  	[sflag:s20] =	ssyncadd.s32 $0xFFFFEC00;
	(pc) =	sbr.rel @p0 .LBB2_10-.Ltmp5, $4  }
0x1b3: {  	[spmem:s4] =	stream.indirect.scatter.add.f32 [tilespmem:s22], [sflag:$0x4], $0x10, s24, s24, $0xb8;
	[tilespmem:$0x11DA0] =	vst v63  }
0x1b4: {  	_ =	swait.ge [sflag:s20], $0x500  }
0x1b5: {  	[sflag:s20] =	ssyncset.done $0x0  }
0x1b6: {  	[sflag:s20] =	ssyncadd.s32 $0xFFFFFB00  }
0x1b7: {  	[bflag:$0x0] =	sbarrier.arrive $0xFFFF  }
0x1b8: {  	s17 =	rddreg [dreg:$0x14]  }
0x1b9: {  	[hbm:s17], [sflag:s14] =	dma.local [spmem:s15], $0x1400  }
0x1ba: {  	_ =	swait.ge [sflag:s20], $0x1400  }
0x1bb: {  	[sflag:s20] =	ssyncset.done $0x0;
	s21 =	rddreg [dreg:$0x5]  }
0x1bc: {  	s23 =	rddreg [dreg:$0x15];
	[sflag:s20] =	ssyncadd.s32 $0xFFFFEC00;
	s19 =	sshrl.u32 s21, $0x3  }
0x1bd: {  	[hbm:s23], [sflag:s14] =	dma.local [spmem:s19], $0x500  }
0x1be: {  	_ =	swait.ge [sflag:s20], $0x500  }
0x1bf: {  	s5 =	sadd.s32 $0x1, s5;
	s25 =	rddreg [dreg:$0x16]  }
0x1c0: {  	p0 =	sne.s32 s5, s25  }
.Ltmp6:
0x1c1: {  	_ = 	snop;
	(pc) =	sbr.rel @p0 .LBB2_1-.Ltmp6, $3  }
0x1c2: {  	_ =	sdelay $0x1  }
0x1c3: {  	s23 =	smov.u32 s28;
	[sflag:s20] =	ssyncset.done $0x0  }
0x1c4: {  	[sflag:s20] =	ssyncadd.s32 $0xFFFFFB00;
	s25 =	smov.u32 s13;
	s13 =	rddreg [dreg:$0x7]  }
0x1c5: {  	_ =	sfence.sel $0x180000  }
0x1c6: {  	[bflag:$0x0] =	sbarrier.arrive $0xFFFF  }
0x1c7: {  	_ =	strace $0x90000047  }
0x1c8: {  	s0 =	stileid.u32;
	[bflag:$0x2] =	sbarrier.arrive $0xFFFF  }
0x1c9: {  	p0 =	sne.s32 s0, $0x0;
	s0 =	rddreg [dreg:$0x4]  }
0x1ca: {  	s0 =	sadd.s32 @!p0 $0x100000, s0  }
0x1cb: {  	[sflag:s0] =	ssyncadd.tile.s32 @!p0 $0x1;
	_ =	shalt  }
.Lfunc_end2:
_tile_overlayer_lowered:
.L_overlay_start_2:
0x1cc: {  	(tag) =	ssettag $0x2  }
0x1cd: {  	s0 =	rddreg [dreg:$0x0];
	s2 =	stileid.u32  }
0x1ce: {  	s1 =	rddreg [dreg:$0x1];
	p0 =	sne.s32 s2, $0x0  }
0x1cf: {  	s3 =	rddreg [dreg:$0x2];
	[bflag:$0x3] =	sbarrier.arrive $0xFFFF;
	s2 =	simm.s32 @!p0 $0x1C04  }
0x1d0: {  	[timem:s3], [sflag:s2] =	dma.local @!p0 [hbm:s0], s1  }
0x1d1: {  	s0 =	simm.s32 @!p0 $0x4  }
0x1d2: {  	_ =	swait.ge @!p0 [sflag:s0], s1  }
0x1d3: {  	s1 =	ssub.s32 @!p0 $0x0, s1;
	[sflag:s0] =	ssyncset.done @!p0 $0x0  }
0x1d4: {  	[sflag:s0] =	ssyncadd.s32 @!p0 s1  }
0x1d5: {  	[bflag:$0x3] =	sbarrier.arrive $0xFFFF  }
0x1d6: {  	_ =	shalt  }

</sc_bundles>
